<compile_context>
chip_gen: v7x
topology: tpu7x:2x2x1
jax: 0.10.2.dev20260603
libtpu: 0.0.44.dev20260713+nightly
codegen_flags: <defaults>
</compile_context>

<pallas_src>
import functools

import jax
import jax.numpy as jnp
from jax import lax
from jax.experimental import pallas as pl
from jax.experimental.pallas import tpu as pltpu
from jax.experimental.pallas import tpu_sc as plsc

B = 16384
F = 26
D = 32
V = 1000012
ED = F * D
H1, H2, H3 = 512, 256, 128
BF = B * F

NC, NS = 2, 16
NW = NC * NS
EPW = B // NW
IPW = EPW * F
RPC = 8
IPC = RPC * 128
NCH = IPW // IPC
RPW = IPW // 128


def _sc_emb_body(x3, emb, eout, idx_v, rows_v, sem_e):
    w = lax.axis_index("s") * NC + lax.axis_index("c")

    def chunk(g, carry):
        rowoff = w * RPW + g * RPC
        pltpu.sync_copy(x3.at[pl.ds(rowoff, RPC)], idx_v)
        cps = []
        for j in range(RPC):
            cps.append(pltpu.async_copy(
                emb.at[idx_v.at[j]], rows_v.at[pl.ds(j * 128, 128)], sem_e))
        for c in cps:
            c.wait()
        pltpu.sync_copy(rows_v, eout.at[pl.ds(w * IPW + g * IPC, IPC)])
        return carry

    lax.fori_loop(0, NCH, chunk, 0)


def _sc_fc_body(x3, fc, fcg, idx_v, fcr_v, sem_f):
    w = lax.axis_index("s") * NC + lax.axis_index("c")
    pltpu.sync_copy(x3.at[pl.ds(w * RPW, RPW)], idx_v)

    def chunk(g, carry):
        cps = []
        for j in range(RPC):
            r = g * RPC + j
            cps.append(pltpu.async_copy(
                fc.at[idx_v.at[r]], fcr_v.at[pl.ds(r * 128, 128)], sem_f))
        for c in cps:
            c.wait()
        return carry

    lax.fori_loop(0, NCH, chunk, 0)
    pltpu.sync_copy(fcr_v, fcg.at[pl.ds(w * IPW, IPW)])


@functools.lru_cache(maxsize=None)
def _make_sc_emb():
    return pl.kernel(
        _sc_emb_body,
        out_type=jax.ShapeDtypeStruct((BF, D), jnp.float32),
        mesh=plsc.VectorSubcoreMesh(
            core_axis_name="c", subcore_axis_name="s",
            num_cores=NC, num_subcores=NS),
        scratch_types=[
            pltpu.VMEM((RPC, 128), jnp.int32),
            pltpu.VMEM((IPC, D), jnp.float32),
            pltpu.SemaphoreType.DMA,
        ],
        compiler_params=pltpu.CompilerParams(use_tc_tiling_on_sc=False),
    )


@functools.lru_cache(maxsize=None)
def _make_sc_fc():
    return pl.kernel(
        _sc_fc_body,
        out_type=jax.ShapeDtypeStruct((BF,), jnp.float32),
        mesh=plsc.VectorSubcoreMesh(
            core_axis_name="c", subcore_axis_name="s",
            num_cores=NC, num_subcores=NS),
        scratch_types=[
            pltpu.VMEM((RPW, 128), jnp.int32),
            pltpu.VMEM((IPW,), jnp.float32),
            pltpu.SemaphoreType.DMA,
        ],
        compiler_params=pltpu.CompilerParams(use_tc_tiling_on_sc=False),
    )


def _mlp_body(e_ref, fcg_ref, s_ref, w1_ref, b1_ref, w2_ref, b2_ref,
              w3_ref, b3_ref, w4_ref, c_ref, o_ref):
    e = e_ref[...]
    s = jnp.dot(e, s_ref[...], preferred_element_type=jnp.float32)
    q = jnp.dot(e * e, s_ref[...], preferred_element_type=jnp.float32)
    pair = 0.5 * jnp.sum(s * s - q, axis=1, keepdims=True)
    lin = jnp.sum(fcg_ref[...], axis=1, keepdims=True)
    h = jnp.maximum(
        jnp.dot(e, w1_ref[...], preferred_element_type=jnp.float32)
        + b1_ref[...], 0.0)
    h = jnp.maximum(
        jnp.dot(h, w2_ref[...], preferred_element_type=jnp.float32)
        + b2_ref[...], 0.0)
    h = jnp.maximum(
        jnp.dot(h, w3_ref[...], preferred_element_type=jnp.float32)
        + b3_ref[...], 0.0)
    mlp = jnp.sum(h * w4_ref[...], axis=1, keepdims=True)
    z = pair + lin + mlp + c_ref[0, 0]
    o_ref[...] = 1.0 / (1.0 + jnp.exp(-z))


def kernel(x, bias, fc, emb, W1, b1, W2, b2, W3, b3, W4, b4):
    x3 = x.reshape(BF // 128, 128)
    eflat = _make_sc_emb()(x3, emb)
    fcg = _make_sc_fc()(x3, fc[:, 0])
    e2 = eflat.reshape(B, ED)
    fcg2 = fcg.reshape(B, F)
    rows = jnp.arange(ED, dtype=jnp.int32)
    S = (rows[:, None] % D
         == jnp.arange(D, dtype=jnp.int32)[None, :]).astype(jnp.float32)
    c = (bias + b4).reshape(1, 1)

    bB = 1024
    grid = (B // bB,)
    out2 = pl.pallas_call(
        _mlp_body,
        grid=grid,
        in_specs=[
            pl.BlockSpec((bB, ED), lambda i: (i, 0)),
            pl.BlockSpec((bB, F), lambda i: (i, 0)),
            pl.BlockSpec((ED, D), lambda i: (0, 0)),
            pl.BlockSpec((ED, H1), lambda i: (0, 0)),
            pl.BlockSpec((1, H1), lambda i: (0, 0)),
            pl.BlockSpec((H1, H2), lambda i: (0, 0)),
            pl.BlockSpec((1, H2), lambda i: (0, 0)),
            pl.BlockSpec((H2, H3), lambda i: (0, 0)),
            pl.BlockSpec((1, H3), lambda i: (0, 0)),
            pl.BlockSpec((1, H3), lambda i: (0, 0)),
            pl.BlockSpec((1, 1), lambda i: (0, 0)),
        ],
        out_specs=pl.BlockSpec((bB, 1), lambda i: (i, 0)),
        out_shape=jax.ShapeDtypeStruct((B, 1), jnp.float32),
    )(e2, fcg2, S, W1, b1.reshape(1, H1), W2, b2.reshape(1, H2),
      W3, b3.reshape(1, H3), W4.reshape(1, H3), c)
    return out2.reshape(B)

# --- scband reference (transcript-rebuilt; emitter-appended) ---
"""Pipeline reference for scband-deep-fm-43018392437015 (READ-ONLY COPY).

The authoritative reference and input builder live on the scoring server;
editing this copy changes nothing except your own understanding.
"""

import jax, jax.numpy as jnp
import numpy as np

V = 1000012  # sum(input_dims)
D = 32       # embedding_dim
B = 16384
F = 26       # n fields
E_DIM = F * D  # 832
H1, H2, H3 = 512, 256, 128

def setup_inputs(seed: int = 0) -> dict:
    key = jax.random.key(seed)
    ks = jax.random.split(key, 12)
    x = jax.random.randint(ks[0], (B, F), 0, V, dtype=jnp.int32)
    bias = jnp.zeros((1,), dtype=jnp.float32)
    fc = jax.random.normal(ks[1], (V, 1), dtype=jnp.float32) * 0.01
    emb = jax.random.normal(ks[2], (V, D), dtype=jnp.float32) * 0.01
    W1 = jax.random.normal(ks[3], (E_DIM, H1), dtype=jnp.float32) * (1.0 / np.sqrt(E_DIM))
    b1 = jnp.zeros((H1,), dtype=jnp.float32)
    W2 = jax.random.normal(ks[4], (H1, H2), dtype=jnp.float32) * (1.0 / np.sqrt(H1))
    b2 = jnp.zeros((H2,), dtype=jnp.float32)
    W3 = jax.random.normal(ks[5], (H2, H3), dtype=jnp.float32) * (1.0 / np.sqrt(H2))
    b3 = jnp.zeros((H3,), dtype=jnp.float32)
    W4 = jax.random.normal(ks[6], (H3, 1), dtype=jnp.float32) * (1.0 / np.sqrt(H3))
    b4 = jnp.zeros((1,), dtype=jnp.float32)
    return {"x": x, "bias": bias, "fc": fc, "emb": emb, "W1": W1, "b1": b1, "W2": W2, "b2": b2, "W3": W3, "b3": b3, "W4": W4, "b4": b4}

def reference(x, bias, fc, emb, W1, b1, W2, b2, W3, b3, W4, b4):
    # FM part
    embed_x = jnp.take(emb, x, axis=0)               # [B, F, D]
    fm_y = bias + jnp.sum(jnp.take(fc, x, axis=0), axis=1)  # [B, 1]
    square_of_sum = jnp.sum(embed_x, axis=1) ** 2    # [B, D]
    sum_of_square = jnp.sum(embed_x ** 2, axis=1)    # [B, D]
    fm_y = fm_y + 0.5 * jnp.sum(square_of_sum - sum_of_square, axis=1, keepdims=True)
    # MLP part (dropout is identity in eval)
    h = embed_x.reshape(-1, E_DIM)
    h = jax.nn.relu(h @ W1 + b1)
    h = jax.nn.relu(h @ W2 + b2)
    h = jax.nn.relu(h @ W3 + b3)
    mlp_y = h @ W4 + b4                              # [B, 1]
    y = jax.nn.sigmoid(fm_y[:, 0] + mlp_y[:, 0])     # [B]
    return y

if __name__ == "__main__":
    import jax
    _d = setup_inputs()
    print(jax.jit(kernel)(*tuple(_d.values())))

</pallas_src>

<mosaic_0001>
#map = affine_map<(d0, d1) -> (0, 0)>
#map1 = affine_map<(d0, d1) -> (0)>
module attributes {stable_mosaic.version = 14 : i64} {
  func.func @_sc_fc_body(%arg0: i32, %arg1: i32, %arg2: memref<3328x128xi32, #tpu.memory_space<hbm>>, %arg3: memref<1000012xf32, #tpu.memory_space<hbm>>, %arg4: memref<425984xf32, #tpu.memory_space<hbm>>, %arg5: memref<104x128xi32, #tpu.memory_space<vmem>>, %arg6: memref<13312xf32, #tpu.memory_space<vmem>>, %arg7: memref<!tpu.dma_semaphore, #tpu.memory_space<semaphore_mem>>) attributes {dimension_semantics = [#tpu.dimension_semantics<core_parallel>, #tpu.dimension_semantics<subcore_parallel>], iteration_bounds = array<i64: 2, 16>, scalar_prefetch = 0 : i64, scratch_operands = 3 : i64, tpu.core_type = #tpu.core_type<sc_vector_subcore>, window_params = [{transform_indices = #map}, {transform_indices = #map1}, {transform_indices = #map1}]} {
    %mul3A = arith.constant 2 : i32
    %mul3A_0 = arith.muli %arg1, %mul3A : i32
    %add3A = arith.addi %mul3A_0, %arg0 : i32
    %mul3A_1 = arith.constant 104 : i32
    %mul3A_2 = arith.muli %add3A, %mul3A_1 : i32
    "tpu.region"() ({
      %run_scoped3A = tpu.sem_alloc : memref<!tpu.dma_semaphore, #tpu.memory_space<semaphore_mem>>
      %dma_start3A = arith.constant 0 : i32
      %dma_start3A_10 = tpu.memref_slice %arg2[%mul3A_2, %dma_start3A] : memref<3328x128xi32, #tpu.memory_space<hbm>> -> memref<104x128xi32, #tpu.memory_space<hbm>>
      %dma_start3A_11 = arith.constant 0 : i32
      %dma_start3A_12 = tpu.memref_slice %arg2[%mul3A_2, %dma_start3A_11] : memref<3328x128xi32, #tpu.memory_space<hbm>> -> memref<104x128xi32, #tpu.memory_space<hbm>>
      tpu.enqueue_dma source(%dma_start3A_12 : memref<104x128xi32, #tpu.memory_space<hbm>>) target(%arg5 : memref<104x128xi32, #tpu.memory_space<vmem>>) target_semaphore(%run_scoped3A : memref<!tpu.dma_semaphore, #tpu.memory_space<semaphore_mem>>)
      %dma_wait3A = arith.constant 0 : i32
      %dma_wait3A_13 = tpu.memref_slice %arg2[%mul3A_2, %dma_wait3A] : memref<3328x128xi32, #tpu.memory_space<hbm>> -> memref<104x128xi32, #tpu.memory_space<hbm>>
      %dma_wait3A_14 = arith.constant 0 : i32
      %dma_wait3A_15 = tpu.memref_slice %arg2[%mul3A_2, %dma_wait3A_14] : memref<3328x128xi32, #tpu.memory_space<hbm>> -> memref<104x128xi32, #tpu.memory_space<hbm>>
      tpu.wait_dma2 semaphore(%run_scoped3A : memref<!tpu.dma_semaphore, #tpu.memory_space<semaphore_mem>>) src(%dma_wait3A_15 : memref<104x128xi32, #tpu.memory_space<hbm>>) dst(%arg5 : memref<104x128xi32, #tpu.memory_space<vmem>>)
      tpu.yield
    }) : () -> ()
    %scan3A = arith.constant 0 : i32
    %scan3A_3 = arith.constant 0 : i32
    %scan3A_4 = arith.constant 13 : i32
    %scan3A_5 = arith.addi %scan3A_3, %scan3A_4 : i32
    %scan3A_6 = arith.constant 1 : i32
    scf.for %scan3A_10 = %scan3A_3 to %scan3A_5 step %scan3A_6  : i32 {
      %mul3A_11 = arith.constant 8 : i32
      %mul3A_12 = arith.muli %scan3A_10, %mul3A_11 : i32
      %add3A_13 = arith.constant 0 : i32
      %add3A_14 = arith.addi %mul3A_12, %add3A_13 : i32
      %mul3A_15 = arith.constant 128 : i32
      %mul3A_16 = arith.muli %add3A_14, %mul3A_15 : i32
      %dma_start3A = tpu.memref_slice %arg6[%mul3A_16] : memref<13312xf32, #tpu.memory_space<vmem>> -> memref<128xf32, #tpu.memory_space<vmem>>
      %dma_start3A_17 = arith.constant 0 : i32
      %dma_start3A_18 = tpu.memref_slice %arg5[%add3A_14, %dma_start3A_17] : memref<104x128xi32, #tpu.memory_space<vmem>> -> memref<1x128xi32, #tpu.memory_space<vmem>>
      %dma_start3A_19 = tpu.memref_squeeze %dma_start3A_18 : memref<1x128xi32, #tpu.memory_space<vmem>> -> memref<128xi32, #tpu.memory_space<vmem>>
      %dma_start3A_20 = arith.constant 0 : i32
      %dma_start3A_21 = tpu.memref_slice %arg3[%dma_start3A_20] : memref<1000012xf32, #tpu.memory_space<hbm>> -> memref<1000012xf32, #tpu.memory_space<hbm>>
      tpu.enqueue_indirect_dma source(%dma_start3A_21 : memref<1000012xf32, #tpu.memory_space<hbm>>) target(%dma_start3A : memref<128xf32, #tpu.memory_space<vmem>>) offsets(%dma_start3A_19 : memref<128xi32, #tpu.memory_space<vmem>>) semaphore(%arg7 : memref<!tpu.dma_semaphore, #tpu.memory_space<semaphore_mem>>)
      %mul3A_22 = arith.constant 8 : i32
      %mul3A_23 = arith.muli %scan3A_10, %mul3A_22 : i32
      %add3A_24 = arith.constant 1 : i32
      %add3A_25 = arith.addi %mul3A_23, %add3A_24 : i32
      %mul3A_26 = arith.constant 128 : i32
      %mul3A_27 = arith.muli %add3A_25, %mul3A_26 : i32
      %dma_start3A_28 = tpu.memref_slice %arg6[%mul3A_27] : memref<13312xf32, #tpu.memory_space<vmem>> -> memref<128xf32, #tpu.memory_space<vmem>>
      %dma_start3A_29 = arith.constant 0 : i32
      %dma_start3A_30 = tpu.memref_slice %arg5[%add3A_25, %dma_start3A_29] : memref<104x128xi32, #tpu.memory_space<vmem>> -> memref<1x128xi32, #tpu.memory_space<vmem>>
      %dma_start3A_31 = tpu.memref_squeeze %dma_start3A_30 : memref<1x128xi32, #tpu.memory_space<vmem>> -> memref<128xi32, #tpu.memory_space<vmem>>
      %dma_start3A_32 = arith.constant 0 : i32
      %dma_start3A_33 = tpu.memref_slice %arg3[%dma_start3A_32] : memref<1000012xf32, #tpu.memory_space<hbm>> -> memref<1000012xf32, #tpu.memory_space<hbm>>
      tpu.enqueue_indirect_dma source(%dma_start3A_33 : memref<1000012xf32, #tpu.memory_space<hbm>>) target(%dma_start3A_28 : memref<128xf32, #tpu.memory_space<vmem>>) offsets(%dma_start3A_31 : memref<128xi32, #tpu.memory_space<vmem>>) semaphore(%arg7 : memref<!tpu.dma_semaphore, #tpu.memory_space<semaphore_mem>>)
      %mul3A_34 = arith.constant 8 : i32
      %mul3A_35 = arith.muli %scan3A_10, %mul3A_34 : i32
      %add3A_36 = arith.constant 2 : i32
      %add3A_37 = arith.addi %mul3A_35, %add3A_36 : i32
      %mul3A_38 = arith.constant 128 : i32
      %mul3A_39 = arith.muli %add3A_37, %mul3A_38 : i32
      %dma_start3A_40 = tpu.memref_slice %arg6[%mul3A_39] : memref<13312xf32, #tpu.memory_space<vmem>> -> memref<128xf32, #tpu.memory_space<vmem>>
      %dma_start3A_41 = arith.constant 0 : i32
      %dma_start3A_42 = tpu.memref_slice %arg5[%add3A_37, %dma_start3A_41] : memref<104x128xi32, #tpu.memory_space<vmem>> -> memref<1x128xi32, #tpu.memory_space<vmem>>
      %dma_start3A_43 = tpu.memref_squeeze %dma_start3A_42 : memref<1x128xi32, #tpu.memory_space<vmem>> -> memref<128xi32, #tpu.memory_space<vmem>>
      %dma_start3A_44 = arith.constant 0 : i32
      %dma_start3A_45 = tpu.memref_slice %arg3[%dma_start3A_44] : memref<1000012xf32, #tpu.memory_space<hbm>> -> memref<1000012xf32, #tpu.memory_space<hbm>>
      tpu.enqueue_indirect_dma source(%dma_start3A_45 : memref<1000012xf32, #tpu.memory_space<hbm>>) target(%dma_start3A_40 : memref<128xf32, #tpu.memory_space<vmem>>) offsets(%dma_start3A_43 : memref<128xi32, #tpu.memory_space<vmem>>) semaphore(%arg7 : memref<!tpu.dma_semaphore, #tpu.memory_space<semaphore_mem>>)
      %mul3A_46 = arith.constant 8 : i32
      %mul3A_47 = arith.muli %scan3A_10, %mul3A_46 : i32
      %add3A_48 = arith.constant 3 : i32
      %add3A_49 = arith.addi %mul3A_47, %add3A_48 : i32
      %mul3A_50 = arith.constant 128 : i32
      %mul3A_51 = arith.muli %add3A_49, %mul3A_50 : i32
      %dma_start3A_52 = tpu.memref_slice %arg6[%mul3A_51] : memref<13312xf32, #tpu.memory_space<vmem>> -> memref<128xf32, #tpu.memory_space<vmem>>
      %dma_start3A_53 = arith.constant 0 : i32
      %dma_start3A_54 = tpu.memref_slice %arg5[%add3A_49, %dma_start3A_53] : memref<104x128xi32, #tpu.memory_space<vmem>> -> memref<1x128xi32, #tpu.memory_space<vmem>>
      %dma_start3A_55 = tpu.memref_squeeze %dma_start3A_54 : memref<1x128xi32, #tpu.memory_space<vmem>> -> memref<128xi32, #tpu.memory_space<vmem>>
      %dma_start3A_56 = arith.constant 0 : i32
      %dma_start3A_57 = tpu.memref_slice %arg3[%dma_start3A_56] : memref<1000012xf32, #tpu.memory_space<hbm>> -> memref<1000012xf32, #tpu.memory_space<hbm>>
      tpu.enqueue_indirect_dma source(%dma_start3A_57 : memref<1000012xf32, #tpu.memory_space<hbm>>) target(%dma_start3A_52 : memref<128xf32, #tpu.memory_space<vmem>>) offsets(%dma_start3A_55 : memref<128xi32, #tpu.memory_space<vmem>>) semaphore(%arg7 : memref<!tpu.dma_semaphore, #tpu.memory_space<semaphore_mem>>)
      %mul3A_58 = arith.constant 8 : i32
      %mul3A_59 = arith.muli %scan3A_10, %mul3A_58 : i32
      %add3A_60 = arith.constant 4 : i32
      %add3A_61 = arith.addi %mul3A_59, %add3A_60 : i32
      %mul3A_62 = arith.constant 128 : i32
      %mul3A_63 = arith.muli %add3A_61, %mul3A_62 : i32
      %dma_start3A_64 = tpu.memref_slice %arg6[%mul3A_63] : memref<13312xf32, #tpu.memory_space<vmem>> -> memref<128xf32, #tpu.memory_space<vmem>>
      %dma_start3A_65 = arith.constant 0 : i32
      %dma_start3A_66 = tpu.memref_slice %arg5[%add3A_61, %dma_start3A_65] : memref<104x128xi32, #tpu.memory_space<vmem>> -> memref<1x128xi32, #tpu.memory_space<vmem>>
      %dma_start3A_67 = tpu.memref_squeeze %dma_start3A_66 : memref<1x128xi32, #tpu.memory_space<vmem>> -> memref<128xi32, #tpu.memory_space<vmem>>
      %dma_start3A_68 = arith.constant 0 : i32
      %dma_start3A_69 = tpu.memref_slice %arg3[%dma_start3A_68] : memref<1000012xf32, #tpu.memory_space<hbm>> -> memref<1000012xf32, #tpu.memory_space<hbm>>
      tpu.enqueue_indirect_dma source(%dma_start3A_69 : memref<1000012xf32, #tpu.memory_space<hbm>>) target(%dma_start3A_64 : memref<128xf32, #tpu.memory_space<vmem>>) offsets(%dma_start3A_67 : memref<128xi32, #tpu.memory_space<vmem>>) semaphore(%arg7 : memref<!tpu.dma_semaphore, #tpu.memory_space<semaphore_mem>>)
      %mul3A_70 = arith.constant 8 : i32
      %mul3A_71 = arith.muli %scan3A_10, %mul3A_70 : i32
      %add3A_72 = arith.constant 5 : i32
      %add3A_73 = arith.addi %mul3A_71, %add3A_72 : i32
      %mul3A_74 = arith.constant 128 : i32
      %mul3A_75 = arith.muli %add3A_73, %mul3A_74 : i32
      %dma_start3A_76 = tpu.memref_slice %arg6[%mul3A_75] : memref<13312xf32, #tpu.memory_space<vmem>> -> memref<128xf32, #tpu.memory_space<vmem>>
      %dma_start3A_77 = arith.constant 0 : i32
      %dma_start3A_78 = tpu.memref_slice %arg5[%add3A_73, %dma_start3A_77] : memref<104x128xi32, #tpu.memory_space<vmem>> -> memref<1x128xi32, #tpu.memory_space<vmem>>
      %dma_start3A_79 = tpu.memref_squeeze %dma_start3A_78 : memref<1x128xi32, #tpu.memory_space<vmem>> -> memref<128xi32, #tpu.memory_space<vmem>>
      %dma_start3A_80 = arith.constant 0 : i32
      %dma_start3A_81 = tpu.memref_slice %arg3[%dma_start3A_80] : memref<1000012xf32, #tpu.memory_space<hbm>> -> memref<1000012xf32, #tpu.memory_space<hbm>>
      tpu.enqueue_indirect_dma source(%dma_start3A_81 : memref<1000012xf32, #tpu.memory_space<hbm>>) target(%dma_start3A_76 : memref<128xf32, #tpu.memory_space<vmem>>) offsets(%dma_start3A_79 : memref<128xi32, #tpu.memory_space<vmem>>) semaphore(%arg7 : memref<!tpu.dma_semaphore, #tpu.memory_space<semaphore_mem>>)
      %mul3A_82 = arith.constant 8 : i32
      %mul3A_83 = arith.muli %scan3A_10, %mul3A_82 : i32
      %add3A_84 = arith.constant 6 : i32
      %add3A_85 = arith.addi %mul3A_83, %add3A_84 : i32
      %mul3A_86 = arith.constant 128 : i32
      %mul3A_87 = arith.muli %add3A_85, %mul3A_86 : i32
      %dma_start3A_88 = tpu.memref_slice %arg6[%mul3A_87] : memref<13312xf32, #tpu.memory_space<vmem>> -> memref<128xf32, #tpu.memory_space<vmem>>
      %dma_start3A_89 = arith.constant 0 : i32
      %dma_start3A_90 = tpu.memref_slice %arg5[%add3A_85, %dma_start3A_89] : memref<104x128xi32, #tpu.memory_space<vmem>> -> memref<1x128xi32, #tpu.memory_space<vmem>>
      %dma_start3A_91 = tpu.memref_squeeze %dma_start3A_90 : memref<1x128xi32, #tpu.memory_space<vmem>> -> memref<128xi32, #tpu.memory_space<vmem>>
      %dma_start3A_92 = arith.constant 0 : i32
      %dma_start3A_93 = tpu.memref_slice %arg3[%dma_start3A_92] : memref<1000012xf32, #tpu.memory_space<hbm>> -> memref<1000012xf32, #tpu.memory_space<hbm>>
      tpu.enqueue_indirect_dma source(%dma_start3A_93 : memref<1000012xf32, #tpu.memory_space<hbm>>) target(%dma_start3A_88 : memref<128xf32, #tpu.memory_space<vmem>>) offsets(%dma_start3A_91 : memref<128xi32, #tpu.memory_space<vmem>>) semaphore(%arg7 : memref<!tpu.dma_semaphore, #tpu.memory_space<semaphore_mem>>)
      %mul3A_94 = arith.constant 8 : i32
      %mul3A_95 = arith.muli %scan3A_10, %mul3A_94 : i32
      %add3A_96 = arith.constant 7 : i32
      %add3A_97 = arith.addi %mul3A_95, %add3A_96 : i32
      %mul3A_98 = arith.constant 128 : i32
      %mul3A_99 = arith.muli %add3A_97, %mul3A_98 : i32
      %dma_start3A_100 = tpu.memref_slice %arg6[%mul3A_99] : memref<13312xf32, #tpu.memory_space<vmem>> -> memref<128xf32, #tpu.memory_space<vmem>>
      %dma_start3A_101 = arith.constant 0 : i32
      %dma_start3A_102 = tpu.memref_slice %arg5[%add3A_97, %dma_start3A_101] : memref<104x128xi32, #tpu.memory_space<vmem>> -> memref<1x128xi32, #tpu.memory_space<vmem>>
      %dma_start3A_103 = tpu.memref_squeeze %dma_start3A_102 : memref<1x128xi32, #tpu.memory_space<vmem>> -> memref<128xi32, #tpu.memory_space<vmem>>
      %dma_start3A_104 = arith.constant 0 : i32
      %dma_start3A_105 = tpu.memref_slice %arg3[%dma_start3A_104] : memref<1000012xf32, #tpu.memory_space<hbm>> -> memref<1000012xf32, #tpu.memory_space<hbm>>
      tpu.enqueue_indirect_dma source(%dma_start3A_105 : memref<1000012xf32, #tpu.memory_space<hbm>>) target(%dma_start3A_100 : memref<128xf32, #tpu.memory_space<vmem>>) offsets(%dma_start3A_103 : memref<128xi32, #tpu.memory_space<vmem>>) semaphore(%arg7 : memref<!tpu.dma_semaphore, #tpu.memory_space<semaphore_mem>>)
      %dma_wait3A = tpu.memref_slice %arg6[%mul3A_16] : memref<13312xf32, #tpu.memory_space<vmem>> -> memref<128xf32, #tpu.memory_space<vmem>>
      %dma_wait3A_106 = arith.constant 0 : i32
      %dma_wait3A_107 = tpu.memref_slice %arg5[%add3A_14, %dma_wait3A_106] : memref<104x128xi32, #tpu.memory_space<vmem>> -> memref<1x128xi32, #tpu.memory_space<vmem>>
      %dma_wait3A_108 = tpu.memref_squeeze %dma_wait3A_107 : memref<1x128xi32, #tpu.memory_space<vmem>> -> memref<128xi32, #tpu.memory_space<vmem>>
      %dma_wait3A_109 = arith.constant 0 : i32
      %dma_wait3A_110 = tpu.memref_slice %arg3[%dma_wait3A_109] : memref<1000012xf32, #tpu.memory_space<hbm>> -> memref<1000012xf32, #tpu.memory_space<hbm>>
      tpu.wait_indirect_dma semaphore(%arg7 : memref<!tpu.dma_semaphore, #tpu.memory_space<semaphore_mem>>) src(%dma_wait3A_110 : memref<1000012xf32, #tpu.memory_space<hbm>>) dst(%dma_wait3A : memref<128xf32, #tpu.memory_space<vmem>>)
      %dma_wait3A_111 = tpu.memref_slice %arg6[%mul3A_27] : memref<13312xf32, #tpu.memory_space<vmem>> -> memref<128xf32, #tpu.memory_space<vmem>>
      %dma_wait3A_112 = arith.constant 0 : i32
      %dma_wait3A_113 = tpu.memref_slice %arg5[%add3A_25, %dma_wait3A_112] : memref<104x128xi32, #tpu.memory_space<vmem>> -> memref<1x128xi32, #tpu.memory_space<vmem>>
      %dma_wait3A_114 = tpu.memref_squeeze %dma_wait3A_113 : memref<1x128xi32, #tpu.memory_space<vmem>> -> memref<128xi32, #tpu.memory_space<vmem>>
      %dma_wait3A_115 = arith.constant 0 : i32
      %dma_wait3A_116 = tpu.memref_slice %arg3[%dma_wait3A_115] : memref<1000012xf32, #tpu.memory_space<hbm>> -> memref<1000012xf32, #tpu.memory_space<hbm>>
      tpu.wait_indirect_dma semaphore(%arg7 : memref<!tpu.dma_semaphore, #tpu.memory_space<semaphore_mem>>) src(%dma_wait3A_116 : memref<1000012xf32, #tpu.memory_space<hbm>>) dst(%dma_wait3A_111 : memref<128xf32, #tpu.memory_space<vmem>>)
      %dma_wait3A_117 = tpu.memref_slice %arg6[%mul3A_39] : memref<13312xf32, #tpu.memory_space<vmem>> -> memref<128xf32, #tpu.memory_space<vmem>>
      %dma_wait3A_118 = arith.constant 0 : i32
      %dma_wait3A_119 = tpu.memref_slice %arg5[%add3A_37, %dma_wait3A_118] : memref<104x128xi32, #tpu.memory_space<vmem>> -> memref<1x128xi32, #tpu.memory_space<vmem>>
      %dma_wait3A_120 = tpu.memref_squeeze %dma_wait3A_119 : memref<1x128xi32, #tpu.memory_space<vmem>> -> memref<128xi32, #tpu.memory_space<vmem>>
      %dma_wait3A_121 = arith.constant 0 : i32
      %dma_wait3A_122 = tpu.memref_slice %arg3[%dma_wait3A_121] : memref<1000012xf32, #tpu.memory_space<hbm>> -> memref<1000012xf32, #tpu.memory_space<hbm>>
      tpu.wait_indirect_dma semaphore(%arg7 : memref<!tpu.dma_semaphore, #tpu.memory_space<semaphore_mem>>) src(%dma_wait3A_122 : memref<1000012xf32, #tpu.memory_space<hbm>>) dst(%dma_wait3A_117 : memref<128xf32, #tpu.memory_space<vmem>>)
      %dma_wait3A_123 = tpu.memref_slice %arg6[%mul3A_51] : memref<13312xf32, #tpu.memory_space<vmem>> -> memref<128xf32, #tpu.memory_space<vmem>>
      %dma_wait3A_124 = arith.constant 0 : i32
      %dma_wait3A_125 = tpu.memref_slice %arg5[%add3A_49, %dma_wait3A_124] : memref<104x128xi32, #tpu.memory_space<vmem>> -> memref<1x128xi32, #tpu.memory_space<vmem>>
      %dma_wait3A_126 = tpu.memref_squeeze %dma_wait3A_125 : memref<1x128xi32, #tpu.memory_space<vmem>> -> memref<128xi32, #tpu.memory_space<vmem>>
      %dma_wait3A_127 = arith.constant 0 : i32
      %dma_wait3A_128 = tpu.memref_slice %arg3[%dma_wait3A_127] : memref<1000012xf32, #tpu.memory_space<hbm>> -> memref<1000012xf32, #tpu.memory_space<hbm>>
      tpu.wait_indirect_dma semaphore(%arg7 : memref<!tpu.dma_semaphore, #tpu.memory_space<semaphore_mem>>) src(%dma_wait3A_128 : memref<1000012xf32, #tpu.memory_space<hbm>>) dst(%dma_wait3A_123 : memref<128xf32, #tpu.memory_space<vmem>>)
      %dma_wait3A_129 = tpu.memref_slice %arg6[%mul3A_63] : memref<13312xf32, #tpu.memory_space<vmem>> -> memref<128xf32, #tpu.memory_space<vmem>>
      %dma_wait3A_130 = arith.constant 0 : i32
      %dma_wait3A_131 = tpu.memref_slice %arg5[%add3A_61, %dma_wait3A_130] : memref<104x128xi32, #tpu.memory_space<vmem>> -> memref<1x128xi32, #tpu.memory_space<vmem>>
      %dma_wait3A_132 = tpu.memref_squeeze %dma_wait3A_131 : memref<1x128xi32, #tpu.memory_space<vmem>> -> memref<128xi32, #tpu.memory_space<vmem>>
      %dma_wait3A_133 = arith.constant 0 : i32
      %dma_wait3A_134 = tpu.memref_slice %arg3[%dma_wait3A_133] : memref<1000012xf32, #tpu.memory_space<hbm>> -> memref<1000012xf32, #tpu.memory_space<hbm>>
      tpu.wait_indirect_dma semaphore(%arg7 : memref<!tpu.dma_semaphore, #tpu.memory_space<semaphore_mem>>) src(%dma_wait3A_134 : memref<1000012xf32, #tpu.memory_space<hbm>>) dst(%dma_wait3A_129 : memref<128xf32, #tpu.memory_space<vmem>>)
      %dma_wait3A_135 = tpu.memref_slice %arg6[%mul3A_75] : memref<13312xf32, #tpu.memory_space<vmem>> -> memref<128xf32, #tpu.memory_space<vmem>>
      %dma_wait3A_136 = arith.constant 0 : i32
      %dma_wait3A_137 = tpu.memref_slice %arg5[%add3A_73, %dma_wait3A_136] : memref<104x128xi32, #tpu.memory_space<vmem>> -> memref<1x128xi32, #tpu.memory_space<vmem>>
      %dma_wait3A_138 = tpu.memref_squeeze %dma_wait3A_137 : memref<1x128xi32, #tpu.memory_space<vmem>> -> memref<128xi32, #tpu.memory_space<vmem>>
      %dma_wait3A_139 = arith.constant 0 : i32
      %dma_wait3A_140 = tpu.memref_slice %arg3[%dma_wait3A_139] : memref<1000012xf32, #tpu.memory_space<hbm>> -> memref<1000012xf32, #tpu.memory_space<hbm>>
      tpu.wait_indirect_dma semaphore(%arg7 : memref<!tpu.dma_semaphore, #tpu.memory_space<semaphore_mem>>) src(%dma_wait3A_140 : memref<1000012xf32, #tpu.memory_space<hbm>>) dst(%dma_wait3A_135 : memref<128xf32, #tpu.memory_space<vmem>>)
      %dma_wait3A_141 = tpu.memref_slice %arg6[%mul3A_87] : memref<13312xf32, #tpu.memory_space<vmem>> -> memref<128xf32, #tpu.memory_space<vmem>>
      %dma_wait3A_142 = arith.constant 0 : i32
      %dma_wait3A_143 = tpu.memref_slice %arg5[%add3A_85, %dma_wait3A_142] : memref<104x128xi32, #tpu.memory_space<vmem>> -> memref<1x128xi32, #tpu.memory_space<vmem>>
      %dma_wait3A_144 = tpu.memref_squeeze %dma_wait3A_143 : memref<1x128xi32, #tpu.memory_space<vmem>> -> memref<128xi32, #tpu.memory_space<vmem>>
      %dma_wait3A_145 = arith.constant 0 : i32
      %dma_wait3A_146 = tpu.memref_slice %arg3[%dma_wait3A_145] : memref<1000012xf32, #tpu.memory_space<hbm>> -> memref<1000012xf32, #tpu.memory_space<hbm>>
      tpu.wait_indirect_dma semaphore(%arg7 : memref<!tpu.dma_semaphore, #tpu.memory_space<semaphore_mem>>) src(%dma_wait3A_146 : memref<1000012xf32, #tpu.memory_space<hbm>>) dst(%dma_wait3A_141 : memref<128xf32, #tpu.memory_space<vmem>>)
      %dma_wait3A_147 = tpu.memref_slice %arg6[%mul3A_99] : memref<13312xf32, #tpu.memory_space<vmem>> -> memref<128xf32, #tpu.memory_space<vmem>>
      %dma_wait3A_148 = arith.constant 0 : i32
      %dma_wait3A_149 = tpu.memref_slice %arg5[%add3A_97, %dma_wait3A_148] : memref<104x128xi32, #tpu.memory_space<vmem>> -> memref<1x128xi32, #tpu.memory_space<vmem>>
      %dma_wait3A_150 = tpu.memref_squeeze %dma_wait3A_149 : memref<1x128xi32, #tpu.memory_space<vmem>> -> memref<128xi32, #tpu.memory_space<vmem>>
      %dma_wait3A_151 = arith.constant 0 : i32
      %dma_wait3A_152 = tpu.memref_slice %arg3[%dma_wait3A_151] : memref<1000012xf32, #tpu.memory_space<hbm>> -> memref<1000012xf32, #tpu.memory_space<hbm>>
      tpu.wait_indirect_dma semaphore(%arg7 : memref<!tpu.dma_semaphore, #tpu.memory_space<semaphore_mem>>) src(%dma_wait3A_152 : memref<1000012xf32, #tpu.memory_space<hbm>>) dst(%dma_wait3A_147 : memref<128xf32, #tpu.memory_space<vmem>>)
    }
    %scan3A_7 = arith.constant 13 : i32
    %mul3A_8 = arith.constant 13312 : i32
    %mul3A_9 = arith.muli %add3A, %mul3A_8 : i32
    "tpu.region"() ({
      %run_scoped3A = tpu.sem_alloc : memref<!tpu.dma_semaphore, #tpu.memory_space<semaphore_mem>>
      %dma_start3A = tpu.memref_slice %arg4[%mul3A_9] : memref<425984xf32, #tpu.memory_space<hbm>> -> memref<13312xf32, #tpu.memory_space<hbm>>
      %dma_start3A_10 = tpu.memref_slice %arg4[%mul3A_9] : memref<425984xf32, #tpu.memory_space<hbm>> -> memref<13312xf32, #tpu.memory_space<hbm>>
      tpu.enqueue_dma source(%arg6 : memref<13312xf32, #tpu.memory_space<vmem>>) target(%dma_start3A_10 : memref<13312xf32, #tpu.memory_space<hbm>>) target_semaphore(%run_scoped3A : memref<!tpu.dma_semaphore, #tpu.memory_space<semaphore_mem>>)
      %dma_wait3A = tpu.memref_slice %arg4[%mul3A_9] : memref<425984xf32, #tpu.memory_space<hbm>> -> memref<13312xf32, #tpu.memory_space<hbm>>
      %dma_wait3A_11 = tpu.memref_slice %arg4[%mul3A_9] : memref<425984xf32, #tpu.memory_space<hbm>> -> memref<13312xf32, #tpu.memory_space<hbm>>
      tpu.wait_dma2 semaphore(%run_scoped3A : memref<!tpu.dma_semaphore, #tpu.memory_space<semaphore_mem>>) src(%arg6 : memref<13312xf32, #tpu.memory_space<vmem>>) dst(%dma_wait3A_11 : memref<13312xf32, #tpu.memory_space<hbm>>)
      tpu.yield
    }) : () -> ()
    return
  }
}

#map = affine_map<(d0, d1) -> (0, 0)>
module attributes {stable_mosaic.version = 14 : i64} {
  func.func @_sc_emb_body(%arg0: i32, %arg1: i32, %arg2: memref<3328x128xi32, #tpu.memory_space<hbm>>, %arg3: memref<1000012x32xf32, #tpu.memory_space<hbm>>, %arg4: memref<425984x32xf32, #tpu.memory_space<hbm>>, %arg5: memref<8x128xi32, #tpu.memory_space<vmem>>, %arg6: memref<1024x32xf32, #tpu.memory_space<vmem>>, %arg7: memref<!tpu.dma_semaphore, #tpu.memory_space<semaphore_mem>>) attributes {dimension_semantics = [#tpu.dimension_semantics<core_parallel>, #tpu.dimension_semantics<subcore_parallel>], iteration_bounds = array<i64: 2, 16>, scalar_prefetch = 0 : i64, scratch_operands = 3 : i64, tpu.core_type = #tpu.core_type<sc_vector_subcore>, window_params = [{transform_indices = #map}, {transform_indices = #map}, {transform_indices = #map}]} {
    %mul3A = arith.constant 2 : i32
    %mul3A_0 = arith.muli %arg1, %mul3A : i32
    %add3A = arith.addi %mul3A_0, %arg0 : i32
    %scan3A = arith.constant 0 : i32
    %scan3A_1 = arith.constant 0 : i32
    %scan3A_2 = arith.constant 13 : i32
    %scan3A_3 = arith.addi %scan3A_1, %scan3A_2 : i32
    %scan3A_4 = arith.constant 1 : i32
    scf.for %scan3A_6 = %scan3A_1 to %scan3A_3 step %scan3A_4  : i32 {
      %mul3A_7 = arith.constant 104 : i32
      %mul3A_8 = arith.muli %add3A, %mul3A_7 : i32
      %mul3A_9 = arith.constant 8 : i32
      %mul3A_10 = arith.muli %scan3A_6, %mul3A_9 : i32
      %add3A_11 = arith.addi %mul3A_8, %mul3A_10 : i32
      "tpu.region"() ({
        %run_scoped3A = tpu.sem_alloc : memref<!tpu.dma_semaphore, #tpu.memory_space<semaphore_mem>>
        %dma_start3A_175 = arith.constant 0 : i32
        %dma_start3A_176 = tpu.memref_slice %arg2[%add3A_11, %dma_start3A_175] : memref<3328x128xi32, #tpu.memory_space<hbm>> -> memref<8x128xi32, #tpu.memory_space<hbm>>
        %dma_start3A_177 = arith.constant 0 : i32
        %dma_start3A_178 = tpu.memref_slice %arg2[%add3A_11, %dma_start3A_177] : memref<3328x128xi32, #tpu.memory_space<hbm>> -> memref<8x128xi32, #tpu.memory_space<hbm>>
        tpu.enqueue_dma source(%dma_start3A_178 : memref<8x128xi32, #tpu.memory_space<hbm>>) target(%arg5 : memref<8x128xi32, #tpu.memory_space<vmem>>) target_semaphore(%run_scoped3A : memref<!tpu.dma_semaphore, #tpu.memory_space<semaphore_mem>>)
        %dma_wait3A_179 = arith.constant 0 : i32
        %dma_wait3A_180 = tpu.memref_slice %arg2[%add3A_11, %dma_wait3A_179] : memref<3328x128xi32, #tpu.memory_space<hbm>> -> memref<8x128xi32, #tpu.memory_space<hbm>>
        %dma_wait3A_181 = arith.constant 0 : i32
        %dma_wait3A_182 = tpu.memref_slice %arg2[%add3A_11, %dma_wait3A_181] : memref<3328x128xi32, #tpu.memory_space<hbm>> -> memref<8x128xi32, #tpu.memory_space<hbm>>
        tpu.wait_dma2 semaphore(%run_scoped3A : memref<!tpu.dma_semaphore, #tpu.memory_space<semaphore_mem>>) src(%dma_wait3A_182 : memref<8x128xi32, #tpu.memory_space<hbm>>) dst(%arg5 : memref<8x128xi32, #tpu.memory_space<vmem>>)
        tpu.yield
      }) : () -> ()
      %dma_start3A = arith.constant 0 : i32
      %dma_start3A_12 = arith.constant 0 : i32
      %dma_start3A_13 = arith.constant 0 : i32
      %dma_start3A_14 = tpu.memref_slice %arg6[%dma_start3A_12, %dma_start3A_13] : memref<1024x32xf32, #tpu.memory_space<vmem>> -> memref<128x32xf32, #tpu.memory_space<vmem>>
      %dma_start3A_15 = arith.constant 0 : i32
      %dma_start3A_16 = tpu.memref_slice %arg5[%dma_start3A, %dma_start3A_15] : memref<8x128xi32, #tpu.memory_space<vmem>> -> memref<1x128xi32, #tpu.memory_space<vmem>>
      %dma_start3A_17 = tpu.memref_squeeze %dma_start3A_16 : memref<1x128xi32, #tpu.memory_space<vmem>> -> memref<128xi32, #tpu.memory_space<vmem>>
      %dma_start3A_18 = arith.constant 0 : i32
      %dma_start3A_19 = arith.constant 0 : i32
      %dma_start3A_20 = tpu.memref_slice %arg3[%dma_start3A_18, %dma_start3A_19] : memref<1000012x32xf32, #tpu.memory_space<hbm>> -> memref<1000012x32xf32, #tpu.memory_space<hbm>>
      tpu.enqueue_indirect_dma source(%dma_start3A_20 : memref<1000012x32xf32, #tpu.memory_space<hbm>>) target(%dma_start3A_14 : memref<128x32xf32, #tpu.memory_space<vmem>>) offsets(%dma_start3A_17 : memref<128xi32, #tpu.memory_space<vmem>>) semaphore(%arg7 : memref<!tpu.dma_semaphore, #tpu.memory_space<semaphore_mem>>)
      %dma_start3A_21 = arith.constant 1 : i32
      %dma_start3A_22 = arith.constant 128 : i32
      %dma_start3A_23 = arith.constant 0 : i32
      %dma_start3A_24 = tpu.memref_slice %arg6[%dma_start3A_22, %dma_start3A_23] : memref<1024x32xf32, #tpu.memory_space<vmem>> -> memref<128x32xf32, #tpu.memory_space<vmem>>
      %dma_start3A_25 = arith.constant 0 : i32
      %dma_start3A_26 = tpu.memref_slice %arg5[%dma_start3A_21, %dma_start3A_25] : memref<8x128xi32, #tpu.memory_space<vmem>> -> memref<1x128xi32, #tpu.memory_space<vmem>>
      %dma_start3A_27 = tpu.memref_squeeze %dma_start3A_26 : memref<1x128xi32, #tpu.memory_space<vmem>> -> memref<128xi32, #tpu.memory_space<vmem>>
      %dma_start3A_28 = arith.constant 0 : i32
      %dma_start3A_29 = arith.constant 0 : i32
      %dma_start3A_30 = tpu.memref_slice %arg3[%dma_start3A_28, %dma_start3A_29] : memref<1000012x32xf32, #tpu.memory_space<hbm>> -> memref<1000012x32xf32, #tpu.memory_space<hbm>>
      tpu.enqueue_indirect_dma source(%dma_start3A_30 : memref<1000012x32xf32, #tpu.memory_space<hbm>>) target(%dma_start3A_24 : memref<128x32xf32, #tpu.memory_space<vmem>>) offsets(%dma_start3A_27 : memref<128xi32, #tpu.memory_space<vmem>>) semaphore(%arg7 : memref<!tpu.dma_semaphore, #tpu.memory_space<semaphore_mem>>)
      %dma_start3A_31 = arith.constant 2 : i32
      %dma_start3A_32 = arith.constant 256 : i32
      %dma_start3A_33 = arith.constant 0 : i32
      %dma_start3A_34 = tpu.memref_slice %arg6[%dma_start3A_32, %dma_start3A_33] : memref<1024x32xf32, #tpu.memory_space<vmem>> -> memref<128x32xf32, #tpu.memory_space<vmem>>
      %dma_start3A_35 = arith.constant 0 : i32
      %dma_start3A_36 = tpu.memref_slice %arg5[%dma_start3A_31, %dma_start3A_35] : memref<8x128xi32, #tpu.memory_space<vmem>> -> memref<1x128xi32, #tpu.memory_space<vmem>>
      %dma_start3A_37 = tpu.memref_squeeze %dma_start3A_36 : memref<1x128xi32, #tpu.memory_space<vmem>> -> memref<128xi32, #tpu.memory_space<vmem>>
      %dma_start3A_38 = arith.constant 0 : i32
      %dma_start3A_39 = arith.constant 0 : i32
      %dma_start3A_40 = tpu.memref_slice %arg3[%dma_start3A_38, %dma_start3A_39] : memref<1000012x32xf32, #tpu.memory_space<hbm>> -> memref<1000012x32xf32, #tpu.memory_space<hbm>>
      tpu.enqueue_indirect_dma source(%dma_start3A_40 : memref<1000012x32xf32, #tpu.memory_space<hbm>>) target(%dma_start3A_34 : memref<128x32xf32, #tpu.memory_space<vmem>>) offsets(%dma_start3A_37 : memref<128xi32, #tpu.memory_space<vmem>>) semaphore(%arg7 : memref<!tpu.dma_semaphore, #tpu.memory_space<semaphore_mem>>)
      %dma_start3A_41 = arith.constant 3 : i32
      %dma_start3A_42 = arith.constant 384 : i32
      %dma_start3A_43 = arith.constant 0 : i32
      %dma_start3A_44 = tpu.memref_slice %arg6[%dma_start3A_42, %dma_start3A_43] : memref<1024x32xf32, #tpu.memory_space<vmem>> -> memref<128x32xf32, #tpu.memory_space<vmem>>
      %dma_start3A_45 = arith.constant 0 : i32
      %dma_start3A_46 = tpu.memref_slice %arg5[%dma_start3A_41, %dma_start3A_45] : memref<8x128xi32, #tpu.memory_space<vmem>> -> memref<1x128xi32, #tpu.memory_space<vmem>>
      %dma_start3A_47 = tpu.memref_squeeze %dma_start3A_46 : memref<1x128xi32, #tpu.memory_space<vmem>> -> memref<128xi32, #tpu.memory_space<vmem>>
      %dma_start3A_48 = arith.constant 0 : i32
      %dma_start3A_49 = arith.constant 0 : i32
      %dma_start3A_50 = tpu.memref_slice %arg3[%dma_start3A_48, %dma_start3A_49] : memref<1000012x32xf32, #tpu.memory_space<hbm>> -> memref<1000012x32xf32, #tpu.memory_space<hbm>>
      tpu.enqueue_indirect_dma source(%dma_start3A_50 : memref<1000012x32xf32, #tpu.memory_space<hbm>>) target(%dma_start3A_44 : memref<128x32xf32, #tpu.memory_space<vmem>>) offsets(%dma_start3A_47 : memref<128xi32, #tpu.memory_space<vmem>>) semaphore(%arg7 : memref<!tpu.dma_semaphore, #tpu.memory_space<semaphore_mem>>)
      %dma_start3A_51 = arith.constant 4 : i32
      %dma_start3A_52 = arith.constant 512 : i32
      %dma_start3A_53 = arith.constant 0 : i32
      %dma_start3A_54 = tpu.memref_slice %arg6[%dma_start3A_52, %dma_start3A_53] : memref<1024x32xf32, #tpu.memory_space<vmem>> -> memref<128x32xf32, #tpu.memory_space<vmem>>
      %dma_start3A_55 = arith.constant 0 : i32
      %dma_start3A_56 = tpu.memref_slice %arg5[%dma_start3A_51, %dma_start3A_55] : memref<8x128xi32, #tpu.memory_space<vmem>> -> memref<1x128xi32, #tpu.memory_space<vmem>>
      %dma_start3A_57 = tpu.memref_squeeze %dma_start3A_56 : memref<1x128xi32, #tpu.memory_space<vmem>> -> memref<128xi32, #tpu.memory_space<vmem>>
      %dma_start3A_58 = arith.constant 0 : i32
      %dma_start3A_59 = arith.constant 0 : i32
      %dma_start3A_60 = tpu.memref_slice %arg3[%dma_start3A_58, %dma_start3A_59] : memref<1000012x32xf32, #tpu.memory_space<hbm>> -> memref<1000012x32xf32, #tpu.memory_space<hbm>>
      tpu.enqueue_indirect_dma source(%dma_start3A_60 : memref<1000012x32xf32, #tpu.memory_space<hbm>>) target(%dma_start3A_54 : memref<128x32xf32, #tpu.memory_space<vmem>>) offsets(%dma_start3A_57 : memref<128xi32, #tpu.memory_space<vmem>>) semaphore(%arg7 : memref<!tpu.dma_semaphore, #tpu.memory_space<semaphore_mem>>)
      %dma_start3A_61 = arith.constant 5 : i32
      %dma_start3A_62 = arith.constant 640 : i32
      %dma_start3A_63 = arith.constant 0 : i32
      %dma_start3A_64 = tpu.memref_slice %arg6[%dma_start3A_62, %dma_start3A_63] : memref<1024x32xf32, #tpu.memory_space<vmem>> -> memref<128x32xf32, #tpu.memory_space<vmem>>
      %dma_start3A_65 = arith.constant 0 : i32
      %dma_start3A_66 = tpu.memref_slice %arg5[%dma_start3A_61, %dma_start3A_65] : memref<8x128xi32, #tpu.memory_space<vmem>> -> memref<1x128xi32, #tpu.memory_space<vmem>>
      %dma_start3A_67 = tpu.memref_squeeze %dma_start3A_66 : memref<1x128xi32, #tpu.memory_space<vmem>> -> memref<128xi32, #tpu.memory_space<vmem>>
      %dma_start3A_68 = arith.constant 0 : i32
      %dma_start3A_69 = arith.constant 0 : i32
      %dma_start3A_70 = tpu.memref_slice %arg3[%dma_start3A_68, %dma_start3A_69] : memref<1000012x32xf32, #tpu.memory_space<hbm>> -> memref<1000012x32xf32, #tpu.memory_space<hbm>>
      tpu.enqueue_indirect_dma source(%dma_start3A_70 : memref<1000012x32xf32, #tpu.memory_space<hbm>>) target(%dma_start3A_64 : memref<128x32xf32, #tpu.memory_space<vmem>>) offsets(%dma_start3A_67 : memref<128xi32, #tpu.memory_space<vmem>>) semaphore(%arg7 : memref<!tpu.dma_semaphore, #tpu.memory_space<semaphore_mem>>)
      %dma_start3A_71 = arith.constant 6 : i32
      %dma_start3A_72 = arith.constant 768 : i32
      %dma_start3A_73 = arith.constant 0 : i32
      %dma_start3A_74 = tpu.memref_slice %arg6[%dma_start3A_72, %dma_start3A_73] : memref<1024x32xf32, #tpu.memory_space<vmem>> -> memref<128x32xf32, #tpu.memory_space<vmem>>
      %dma_start3A_75 = arith.constant 0 : i32
      %dma_start3A_76 = tpu.memref_slice %arg5[%dma_start3A_71, %dma_start3A_75] : memref<8x128xi32, #tpu.memory_space<vmem>> -> memref<1x128xi32, #tpu.memory_space<vmem>>
      %dma_start3A_77 = tpu.memref_squeeze %dma_start3A_76 : memref<1x128xi32, #tpu.memory_space<vmem>> -> memref<128xi32, #tpu.memory_space<vmem>>
      %dma_start3A_78 = arith.constant 0 : i32
      %dma_start3A_79 = arith.constant 0 : i32
      %dma_start3A_80 = tpu.memref_slice %arg3[%dma_start3A_78, %dma_start3A_79] : memref<1000012x32xf32, #tpu.memory_space<hbm>> -> memref<1000012x32xf32, #tpu.memory_space<hbm>>
      tpu.enqueue_indirect_dma source(%dma_start3A_80 : memref<1000012x32xf32, #tpu.memory_space<hbm>>) target(%dma_start3A_74 : memref<128x32xf32, #tpu.memory_space<vmem>>) offsets(%dma_start3A_77 : memref<128xi32, #tpu.memory_space<vmem>>) semaphore(%arg7 : memref<!tpu.dma_semaphore, #tpu.memory_space<semaphore_mem>>)
      %dma_start3A_81 = arith.constant 7 : i32
      %dma_start3A_82 = arith.constant 896 : i32
      %dma_start3A_83 = arith.constant 0 : i32
      %dma_start3A_84 = tpu.memref_slice %arg6[%dma_start3A_82, %dma_start3A_83] : memref<1024x32xf32, #tpu.memory_space<vmem>> -> memref<128x32xf32, #tpu.memory_space<vmem>>
      %dma_start3A_85 = arith.constant 0 : i32
      %dma_start3A_86 = tpu.memref_slice %arg5[%dma_start3A_81, %dma_start3A_85] : memref<8x128xi32, #tpu.memory_space<vmem>> -> memref<1x128xi32, #tpu.memory_space<vmem>>
      %dma_start3A_87 = tpu.memref_squeeze %dma_start3A_86 : memref<1x128xi32, #tpu.memory_space<vmem>> -> memref<128xi32, #tpu.memory_space<vmem>>
      %dma_start3A_88 = arith.constant 0 : i32
      %dma_start3A_89 = arith.constant 0 : i32
      %dma_start3A_90 = tpu.memref_slice %arg3[%dma_start3A_88, %dma_start3A_89] : memref<1000012x32xf32, #tpu.memory_space<hbm>> -> memref<1000012x32xf32, #tpu.memory_space<hbm>>
      tpu.enqueue_indirect_dma source(%dma_start3A_90 : memref<1000012x32xf32, #tpu.memory_space<hbm>>) target(%dma_start3A_84 : memref<128x32xf32, #tpu.memory_space<vmem>>) offsets(%dma_start3A_87 : memref<128xi32, #tpu.memory_space<vmem>>) semaphore(%arg7 : memref<!tpu.dma_semaphore, #tpu.memory_space<semaphore_mem>>)
      %dma_wait3A = arith.constant 0 : i32
      %dma_wait3A_91 = arith.constant 0 : i32
      %dma_wait3A_92 = arith.constant 0 : i32
      %dma_wait3A_93 = tpu.memref_slice %arg6[%dma_wait3A_91, %dma_wait3A_92] : memref<1024x32xf32, #tpu.memory_space<vmem>> -> memref<128x32xf32, #tpu.memory_space<vmem>>
      %dma_wait3A_94 = arith.constant 0 : i32
      %dma_wait3A_95 = tpu.memref_slice %arg5[%dma_wait3A, %dma_wait3A_94] : memref<8x128xi32, #tpu.memory_space<vmem>> -> memref<1x128xi32, #tpu.memory_space<vmem>>
      %dma_wait3A_96 = tpu.memref_squeeze %dma_wait3A_95 : memref<1x128xi32, #tpu.memory_space<vmem>> -> memref<128xi32, #tpu.memory_space<vmem>>
      %dma_wait3A_97 = arith.constant 0 : i32
      %dma_wait3A_98 = arith.constant 0 : i32
      %dma_wait3A_99 = tpu.memref_slice %arg3[%dma_wait3A_97, %dma_wait3A_98] : memref<1000012x32xf32, #tpu.memory_space<hbm>> -> memref<1000012x32xf32, #tpu.memory_space<hbm>>
      tpu.wait_indirect_dma semaphore(%arg7 : memref<!tpu.dma_semaphore, #tpu.memory_space<semaphore_mem>>) src(%dma_wait3A_99 : memref<1000012x32xf32, #tpu.memory_space<hbm>>) dst(%dma_wait3A_93 : memref<128x32xf32, #tpu.memory_space<vmem>>)
      %dma_wait3A_100 = arith.constant 1 : i32
      %dma_wait3A_101 = arith.constant 128 : i32
      %dma_wait3A_102 = arith.constant 0 : i32
      %dma_wait3A_103 = tpu.memref_slice %arg6[%dma_wait3A_101, %dma_wait3A_102] : memref<1024x32xf32, #tpu.memory_space<vmem>> -> memref<128x32xf32, #tpu.memory_space<vmem>>
      %dma_wait3A_104 = arith.constant 0 : i32
      %dma_wait3A_105 = tpu.memref_slice %arg5[%dma_wait3A_100, %dma_wait3A_104] : memref<8x128xi32, #tpu.memory_space<vmem>> -> memref<1x128xi32, #tpu.memory_space<vmem>>
      %dma_wait3A_106 = tpu.memref_squeeze %dma_wait3A_105 : memref<1x128xi32, #tpu.memory_space<vmem>> -> memref<128xi32, #tpu.memory_space<vmem>>
      %dma_wait3A_107 = arith.constant 0 : i32
      %dma_wait3A_108 = arith.constant 0 : i32
      %dma_wait3A_109 = tpu.memref_slice %arg3[%dma_wait3A_107, %dma_wait3A_108] : memref<1000012x32xf32, #tpu.memory_space<hbm>> -> memref<1000012x32xf32, #tpu.memory_space<hbm>>
      tpu.wait_indirect_dma semaphore(%arg7 : memref<!tpu.dma_semaphore, #tpu.memory_space<semaphore_mem>>) src(%dma_wait3A_109 : memref<1000012x32xf32, #tpu.memory_space<hbm>>) dst(%dma_wait3A_103 : memref<128x32xf32, #tpu.memory_space<vmem>>)
      %dma_wait3A_110 = arith.constant 2 : i32
      %dma_wait3A_111 = arith.constant 256 : i32
      %dma_wait3A_112 = arith.constant 0 : i32
      %dma_wait3A_113 = tpu.memref_slice %arg6[%dma_wait3A_111, %dma_wait3A_112] : memref<1024x32xf32, #tpu.memory_space<vmem>> -> memref<128x32xf32, #tpu.memory_space<vmem>>
      %dma_wait3A_114 = arith.constant 0 : i32
      %dma_wait3A_115 = tpu.memref_slice %arg5[%dma_wait3A_110, %dma_wait3A_114] : memref<8x128xi32, #tpu.memory_space<vmem>> -> memref<1x128xi32, #tpu.memory_space<vmem>>
      %dma_wait3A_116 = tpu.memref_squeeze %dma_wait3A_115 : memref<1x128xi32, #tpu.memory_space<vmem>> -> memref<128xi32, #tpu.memory_space<vmem>>
      %dma_wait3A_117 = arith.constant 0 : i32
      %dma_wait3A_118 = arith.constant 0 : i32
      %dma_wait3A_119 = tpu.memref_slice %arg3[%dma_wait3A_117, %dma_wait3A_118] : memref<1000012x32xf32, #tpu.memory_space<hbm>> -> memref<1000012x32xf32, #tpu.memory_space<hbm>>
      tpu.wait_indirect_dma semaphore(%arg7 : memref<!tpu.dma_semaphore, #tpu.memory_space<semaphore_mem>>) src(%dma_wait3A_119 : memref<1000012x32xf32, #tpu.memory_space<hbm>>) dst(%dma_wait3A_113 : memref<128x32xf32, #tpu.memory_space<vmem>>)
      %dma_wait3A_120 = arith.constant 3 : i32
      %dma_wait3A_121 = arith.constant 384 : i32
      %dma_wait3A_122 = arith.constant 0 : i32
      %dma_wait3A_123 = tpu.memref_slice %arg6[%dma_wait3A_121, %dma_wait3A_122] : memref<1024x32xf32, #tpu.memory_space<vmem>> -> memref<128x32xf32, #tpu.memory_space<vmem>>
      %dma_wait3A_124 = arith.constant 0 : i32
      %dma_wait3A_125 = tpu.memref_slice %arg5[%dma_wait3A_120, %dma_wait3A_124] : memref<8x128xi32, #tpu.memory_space<vmem>> -> memref<1x128xi32, #tpu.memory_space<vmem>>
      %dma_wait3A_126 = tpu.memref_squeeze %dma_wait3A_125 : memref<1x128xi32, #tpu.memory_space<vmem>> -> memref<128xi32, #tpu.memory_space<vmem>>
      %dma_wait3A_127 = arith.constant 0 : i32
      %dma_wait3A_128 = arith.constant 0 : i32
      %dma_wait3A_129 = tpu.memref_slice %arg3[%dma_wait3A_127, %dma_wait3A_128] : memref<1000012x32xf32, #tpu.memory_space<hbm>> -> memref<1000012x32xf32, #tpu.memory_space<hbm>>
      tpu.wait_indirect_dma semaphore(%arg7 : memref<!tpu.dma_semaphore, #tpu.memory_space<semaphore_mem>>) src(%dma_wait3A_129 : memref<1000012x32xf32, #tpu.memory_space<hbm>>) dst(%dma_wait3A_123 : memref<128x32xf32, #tpu.memory_space<vmem>>)
      %dma_wait3A_130 = arith.constant 4 : i32
      %dma_wait3A_131 = arith.constant 512 : i32
      %dma_wait3A_132 = arith.constant 0 : i32
      %dma_wait3A_133 = tpu.memref_slice %arg6[%dma_wait3A_131, %dma_wait3A_132] : memref<1024x32xf32, #tpu.memory_space<vmem>> -> memref<128x32xf32, #tpu.memory_space<vmem>>
      %dma_wait3A_134 = arith.constant 0 : i32
      %dma_wait3A_135 = tpu.memref_slice %arg5[%dma_wait3A_130, %dma_wait3A_134] : memref<8x128xi32, #tpu.memory_space<vmem>> -> memref<1x128xi32, #tpu.memory_space<vmem>>
      %dma_wait3A_136 = tpu.memref_squeeze %dma_wait3A_135 : memref<1x128xi32, #tpu.memory_space<vmem>> -> memref<128xi32, #tpu.memory_space<vmem>>
      %dma_wait3A_137 = arith.constant 0 : i32
      %dma_wait3A_138 = arith.constant 0 : i32
      %dma_wait3A_139 = tpu.memref_slice %arg3[%dma_wait3A_137, %dma_wait3A_138] : memref<1000012x32xf32, #tpu.memory_space<hbm>> -> memref<1000012x32xf32, #tpu.memory_space<hbm>>
      tpu.wait_indirect_dma semaphore(%arg7 : memref<!tpu.dma_semaphore, #tpu.memory_space<semaphore_mem>>) src(%dma_wait3A_139 : memref<1000012x32xf32, #tpu.memory_space<hbm>>) dst(%dma_wait3A_133 : memref<128x32xf32, #tpu.memory_space<vmem>>)
      %dma_wait3A_140 = arith.constant 5 : i32
      %dma_wait3A_141 = arith.constant 640 : i32
      %dma_wait3A_142 = arith.constant 0 : i32
      %dma_wait3A_143 = tpu.memref_slice %arg6[%dma_wait3A_141, %dma_wait3A_142] : memref<1024x32xf32, #tpu.memory_space<vmem>> -> memref<128x32xf32, #tpu.memory_space<vmem>>
      %dma_wait3A_144 = arith.constant 0 : i32
      %dma_wait3A_145 = tpu.memref_slice %arg5[%dma_wait3A_140, %dma_wait3A_144] : memref<8x128xi32, #tpu.memory_space<vmem>> -> memref<1x128xi32, #tpu.memory_space<vmem>>
      %dma_wait3A_146 = tpu.memref_squeeze %dma_wait3A_145 : memref<1x128xi32, #tpu.memory_space<vmem>> -> memref<128xi32, #tpu.memory_space<vmem>>
      %dma_wait3A_147 = arith.constant 0 : i32
      %dma_wait3A_148 = arith.constant 0 : i32
      %dma_wait3A_149 = tpu.memref_slice %arg3[%dma_wait3A_147, %dma_wait3A_148] : memref<1000012x32xf32, #tpu.memory_space<hbm>> -> memref<1000012x32xf32, #tpu.memory_space<hbm>>
      tpu.wait_indirect_dma semaphore(%arg7 : memref<!tpu.dma_semaphore, #tpu.memory_space<semaphore_mem>>) src(%dma_wait3A_149 : memref<1000012x32xf32, #tpu.memory_space<hbm>>) dst(%dma_wait3A_143 : memref<128x32xf32, #tpu.memory_space<vmem>>)
      %dma_wait3A_150 = arith.constant 6 : i32
      %dma_wait3A_151 = arith.constant 768 : i32
      %dma_wait3A_152 = arith.constant 0 : i32
      %dma_wait3A_153 = tpu.memref_slice %arg6[%dma_wait3A_151, %dma_wait3A_152] : memref<1024x32xf32, #tpu.memory_space<vmem>> -> memref<128x32xf32, #tpu.memory_space<vmem>>
      %dma_wait3A_154 = arith.constant 0 : i32
      %dma_wait3A_155 = tpu.memref_slice %arg5[%dma_wait3A_150, %dma_wait3A_154] : memref<8x128xi32, #tpu.memory_space<vmem>> -> memref<1x128xi32, #tpu.memory_space<vmem>>
      %dma_wait3A_156 = tpu.memref_squeeze %dma_wait3A_155 : memref<1x128xi32, #tpu.memory_space<vmem>> -> memref<128xi32, #tpu.memory_space<vmem>>
      %dma_wait3A_157 = arith.constant 0 : i32
      %dma_wait3A_158 = arith.constant 0 : i32
      %dma_wait3A_159 = tpu.memref_slice %arg3[%dma_wait3A_157, %dma_wait3A_158] : memref<1000012x32xf32, #tpu.memory_space<hbm>> -> memref<1000012x32xf32, #tpu.memory_space<hbm>>
      tpu.wait_indirect_dma semaphore(%arg7 : memref<!tpu.dma_semaphore, #tpu.memory_space<semaphore_mem>>) src(%dma_wait3A_159 : memref<1000012x32xf32, #tpu.memory_space<hbm>>) dst(%dma_wait3A_153 : memref<128x32xf32, #tpu.memory_space<vmem>>)
      %dma_wait3A_160 = arith.constant 7 : i32
      %dma_wait3A_161 = arith.constant 896 : i32
      %dma_wait3A_162 = arith.constant 0 : i32
      %dma_wait3A_163 = tpu.memref_slice %arg6[%dma_wait3A_161, %dma_wait3A_162] : memref<1024x32xf32, #tpu.memory_space<vmem>> -> memref<128x32xf32, #tpu.memory_space<vmem>>
      %dma_wait3A_164 = arith.constant 0 : i32
      %dma_wait3A_165 = tpu.memref_slice %arg5[%dma_wait3A_160, %dma_wait3A_164] : memref<8x128xi32, #tpu.memory_space<vmem>> -> memref<1x128xi32, #tpu.memory_space<vmem>>
      %dma_wait3A_166 = tpu.memref_squeeze %dma_wait3A_165 : memref<1x128xi32, #tpu.memory_space<vmem>> -> memref<128xi32, #tpu.memory_space<vmem>>
      %dma_wait3A_167 = arith.constant 0 : i32
      %dma_wait3A_168 = arith.constant 0 : i32
      %dma_wait3A_169 = tpu.memref_slice %arg3[%dma_wait3A_167, %dma_wait3A_168] : memref<1000012x32xf32, #tpu.memory_space<hbm>> -> memref<1000012x32xf32, #tpu.memory_space<hbm>>
      tpu.wait_indirect_dma semaphore(%arg7 : memref<!tpu.dma_semaphore, #tpu.memory_space<semaphore_mem>>) src(%dma_wait3A_169 : memref<1000012x32xf32, #tpu.memory_space<hbm>>) dst(%dma_wait3A_163 : memref<128x32xf32, #tpu.memory_space<vmem>>)
      %mul3A_170 = arith.constant 13312 : i32
      %mul3A_171 = arith.muli %add3A, %mul3A_170 : i32
      %mul3A_172 = arith.constant 1024 : i32
      %mul3A_173 = arith.muli %scan3A_6, %mul3A_172 : i32
      %add3A_174 = arith.addi %mul3A_171, %mul3A_173 : i32
      "tpu.region"() ({
        %run_scoped3A = tpu.sem_alloc : memref<!tpu.dma_semaphore, #tpu.memory_space<semaphore_mem>>
        %dma_start3A_175 = arith.constant 0 : i32
        %dma_start3A_176 = tpu.memref_slice %arg4[%add3A_174, %dma_start3A_175] : memref<425984x32xf32, #tpu.memory_space<hbm>> -> memref<1024x32xf32, #tpu.memory_space<hbm>>
        %dma_start3A_177 = arith.constant 0 : i32
        %dma_start3A_178 = tpu.memref_slice %arg4[%add3A_174, %dma_start3A_177] : memref<425984x32xf32, #tpu.memory_space<hbm>> -> memref<1024x32xf32, #tpu.memory_space<hbm>>
        tpu.enqueue_dma source(%arg6 : memref<1024x32xf32, #tpu.memory_space<vmem>>) target(%dma_start3A_178 : memref<1024x32xf32, #tpu.memory_space<hbm>>) target_semaphore(%run_scoped3A : memref<!tpu.dma_semaphore, #tpu.memory_space<semaphore_mem>>)
        %dma_wait3A_179 = arith.constant 0 : i32
        %dma_wait3A_180 = tpu.memref_slice %arg4[%add3A_174, %dma_wait3A_179] : memref<425984x32xf32, #tpu.memory_space<hbm>> -> memref<1024x32xf32, #tpu.memory_space<hbm>>
        %dma_wait3A_181 = arith.constant 0 : i32
        %dma_wait3A_182 = tpu.memref_slice %arg4[%add3A_174, %dma_wait3A_181] : memref<425984x32xf32, #tpu.memory_space<hbm>> -> memref<1024x32xf32, #tpu.memory_space<hbm>>
        tpu.wait_dma2 semaphore(%run_scoped3A : memref<!tpu.dma_semaphore, #tpu.memory_space<semaphore_mem>>) src(%arg6 : memref<1024x32xf32, #tpu.memory_space<vmem>>) dst(%dma_wait3A_182 : memref<1024x32xf32, #tpu.memory_space<hbm>>)
        tpu.yield
      }) : () -> ()
    }
    %scan3A_5 = arith.constant 13 : i32
    return
  }
}

module attributes {stable_mosaic.version = 14 : i64} {
  func.func @_mlp_body(%arg0: i32, %arg1: memref<1024x832xf32, #tpu.memory_space<vmem>>, %arg2: memref<1024x26xf32, #tpu.memory_space<vmem>>, %arg3: memref<832x32xf32, #tpu.memory_space<vmem>>, %arg4: memref<832x512xf32, #tpu.memory_space<vmem>>, %arg5: memref<1x512xf32, #tpu.memory_space<vmem>>, %arg6: memref<512x256xf32, #tpu.memory_space<vmem>>, %arg7: memref<1x256xf32, #tpu.memory_space<vmem>>, %arg8: memref<256x128xf32, #tpu.memory_space<vmem>>, %arg9: memref<1x128xf32, #tpu.memory_space<vmem>>, %arg10: memref<1x128xf32, #tpu.memory_space<vmem>>, %arg11: memref<1x1xf32, #tpu.memory_space<vmem>>, %arg12: memref<1024x1xf32, #tpu.memory_space<vmem>>) attributes {dimension_semantics = [#tpu.dimension_semantics<arbitrary>], iteration_bounds = array<i64: 16>, scalar_prefetch = 0 : i64, scratch_operands = 0 : i64, tpu.core_type = #tpu.core_type<tc>, window_params = [{transform_indices = @transform_0, window_bounds = array<i64: 1024, 832>}, {transform_indices = @transform_1, window_bounds = array<i64: 1024, 26>}, {pipeline_mode = #tpu.pipeline_mode<synchronous>, transform_indices = @transform_2, window_bounds = array<i64: 832, 32>}, {pipeline_mode = #tpu.pipeline_mode<synchronous>, transform_indices = @transform_3, window_bounds = array<i64: 832, 512>}, {pipeline_mode = #tpu.pipeline_mode<synchronous>, transform_indices = @transform_4, window_bounds = array<i64: 1, 512>}, {pipeline_mode = #tpu.pipeline_mode<synchronous>, transform_indices = @transform_5, window_bounds = array<i64: 512, 256>}, {pipeline_mode = #tpu.pipeline_mode<synchronous>, transform_indices = @transform_6, window_bounds = array<i64: 1, 256>}, {pipeline_mode = #tpu.pipeline_mode<synchronous>, transform_indices = @transform_7, window_bounds = array<i64: 256, 128>}, {pipeline_mode = #tpu.pipeline_mode<synchronous>, transform_indices = @transform_8, window_bounds = array<i64: 1, 128>}, {pipeline_mode = #tpu.pipeline_mode<synchronous>, transform_indices = @transform_9, window_bounds = array<i64: 1, 128>}, {pipeline_mode = #tpu.pipeline_mode<synchronous>, transform_indices = @transform_10, window_bounds = array<i64: 1, 1>}, {transform_indices = @transform_11, window_bounds = array<i64: 1024, 1>}]} {
    %get3A = arith.constant 0 : index
    %get3A_0 = arith.constant 0 : index
    %get3A_1 = vector.load %arg1[%get3A, %get3A_0] : memref<1024x832xf32, #tpu.memory_space<vmem>>, vector<1024x832xf32>
    %get3A_2 = arith.constant 0 : index
    %get3A_3 = arith.constant 0 : index
    %get3A_4 = vector.load %arg3[%get3A_2, %get3A_3] : memref<832x32xf32, #tpu.memory_space<vmem>>, vector<832x32xf32>
    %dot_general3A = arith.constant dense<0.000000e+00> : vector<1024x32xf32>
    %dot_general3A_5 = tpu.matmul %get3A_1, %get3A_4, %dot_general3A {dimension_numbers = #tpu.dot_dimension_numbers<[1], [0], [0], [1], [0, 0, 1, 1], [], []>, transpose_lhs_hint = false} : vector<1024x832xf32>, vector<832x32xf32>, vector<1024x32xf32> -> vector<1024x32xf32>
    %mul3A = arith.mulf %get3A_1, %get3A_1 : vector<1024x832xf32>
    %get3A_6 = arith.constant 0 : index
    %get3A_7 = arith.constant 0 : index
    %get3A_8 = vector.load %arg3[%get3A_6, %get3A_7] : memref<832x32xf32, #tpu.memory_space<vmem>>, vector<832x32xf32>
    %dot_general3A_9 = arith.constant dense<0.000000e+00> : vector<1024x32xf32>
    %dot_general3A_10 = tpu.matmul %mul3A, %get3A_8, %dot_general3A_9 {dimension_numbers = #tpu.dot_dimension_numbers<[1], [0], [0], [1], [0, 0, 1, 1], [], []>, transpose_lhs_hint = false} : vector<1024x832xf32>, vector<832x32xf32>, vector<1024x32xf32> -> vector<1024x32xf32>
    %mul3A_11 = arith.mulf %dot_general3A_5, %dot_general3A_5 : vector<1024x32xf32>
    %sub3A = arith.subf %mul3A_11, %dot_general3A_10 : vector<1024x32xf32>
    %reduce_sum3A = arith.constant dense<0.000000e+00> : vector<1024xf32>
    %reduce_sum3A_12 = vector.multi_reduction <add>, %sub3A, %reduce_sum3A [1] : vector<1024x32xf32> to vector<1024xf32>
    %broadcast_in_dim3A = vector.shape_cast %reduce_sum3A_12 : vector<1024xf32> to vector<1024x1xf32>
    %mul3A_13 = arith.constant 5.000000e-01 : f32
    %mul3A_14 = vector.broadcast %mul3A_13 : f32 to vector<1024x1xf32>
    %mul3A_15 = arith.mulf %mul3A_14, %broadcast_in_dim3A : vector<1024x1xf32>
    %get3A_16 = arith.constant 0 : index
    %get3A_17 = arith.constant 0 : index
    %get3A_18 = vector.load %arg2[%get3A_16, %get3A_17] : memref<1024x26xf32, #tpu.memory_space<vmem>>, vector<1024x26xf32>
    %reduce_sum3A_19 = arith.constant dense<0.000000e+00> : vector<1024xf32>
    %reduce_sum3A_20 = vector.multi_reduction <add>, %get3A_18, %reduce_sum3A_19 [1] : vector<1024x26xf32> to vector<1024xf32>
    %broadcast_in_dim3A_21 = vector.shape_cast %reduce_sum3A_20 : vector<1024xf32> to vector<1024x1xf32>
    %get3A_22 = arith.constant 0 : index
    %get3A_23 = arith.constant 0 : index
    %get3A_24 = vector.load %arg4[%get3A_22, %get3A_23] : memref<832x512xf32, #tpu.memory_space<vmem>>, vector<832x512xf32>
    %dot_general3A_25 = arith.constant dense<0.000000e+00> : vector<1024x512xf32>
    %dot_general3A_26 = tpu.matmul %get3A_1, %get3A_24, %dot_general3A_25 {dimension_numbers = #tpu.dot_dimension_numbers<[1], [0], [0], [1], [0, 0, 1, 1], [], []>, transpose_lhs_hint = false} : vector<1024x832xf32>, vector<832x512xf32>, vector<1024x512xf32> -> vector<1024x512xf32>
    %get3A_27 = arith.constant 0 : index
    %get3A_28 = arith.constant 0 : index
    %get3A_29 = vector.load %arg5[%get3A_27, %get3A_28] : memref<1x512xf32, #tpu.memory_space<vmem>>, vector<1x512xf32>
    %add3A = vector.broadcast %get3A_29 : vector<1x512xf32> to vector<1024x512xf32>
    %add3A_30 = arith.addf %dot_general3A_26, %add3A : vector<1024x512xf32>
    %max3A = arith.constant 0.000000e+00 : f32
    %max3A_31 = vector.broadcast %max3A : f32 to vector<1024x512xf32>
    %max3A_32 = arith.maximumf %add3A_30, %max3A_31 : vector<1024x512xf32>
    %get3A_33 = arith.constant 0 : index
    %get3A_34 = arith.constant 0 : index
    %get3A_35 = vector.load %arg6[%get3A_33, %get3A_34] : memref<512x256xf32, #tpu.memory_space<vmem>>, vector<512x256xf32>
    %dot_general3A_36 = arith.constant dense<0.000000e+00> : vector<1024x256xf32>
    %dot_general3A_37 = tpu.matmul %max3A_32, %get3A_35, %dot_general3A_36 {dimension_numbers = #tpu.dot_dimension_numbers<[1], [0], [0], [1], [0, 0, 1, 1], [], []>, transpose_lhs_hint = false} : vector<1024x512xf32>, vector<512x256xf32>, vector<1024x256xf32> -> vector<1024x256xf32>
    %get3A_38 = arith.constant 0 : index
    %get3A_39 = arith.constant 0 : index
    %get3A_40 = vector.load %arg7[%get3A_38, %get3A_39] : memref<1x256xf32, #tpu.memory_space<vmem>>, vector<1x256xf32>
    %add3A_41 = vector.broadcast %get3A_40 : vector<1x256xf32> to vector<1024x256xf32>
    %add3A_42 = arith.addf %dot_general3A_37, %add3A_41 : vector<1024x256xf32>
    %max3A_43 = arith.constant 0.000000e+00 : f32
    %max3A_44 = vector.broadcast %max3A_43 : f32 to vector<1024x256xf32>
    %max3A_45 = arith.maximumf %add3A_42, %max3A_44 : vector<1024x256xf32>
    %get3A_46 = arith.constant 0 : index
    %get3A_47 = arith.constant 0 : index
    %get3A_48 = vector.load %arg8[%get3A_46, %get3A_47] : memref<256x128xf32, #tpu.memory_space<vmem>>, vector<256x128xf32>
    %dot_general3A_49 = arith.constant dense<0.000000e+00> : vector<1024x128xf32>
    %dot_general3A_50 = tpu.matmul %max3A_45, %get3A_48, %dot_general3A_49 {dimension_numbers = #tpu.dot_dimension_numbers<[1], [0], [0], [1], [0, 0, 1, 1], [], []>, transpose_lhs_hint = false} : vector<1024x256xf32>, vector<256x128xf32>, vector<1024x128xf32> -> vector<1024x128xf32>
    %get3A_51 = arith.constant 0 : index
    %get3A_52 = arith.constant 0 : index
    %get3A_53 = vector.load %arg9[%get3A_51, %get3A_52] : memref<1x128xf32, #tpu.memory_space<vmem>>, vector<1x128xf32>
    %add3A_54 = vector.broadcast %get3A_53 : vector<1x128xf32> to vector<1024x128xf32>
    %add3A_55 = arith.addf %dot_general3A_50, %add3A_54 : vector<1024x128xf32>
    %max3A_56 = arith.constant 0.000000e+00 : f32
    %max3A_57 = vector.broadcast %max3A_56 : f32 to vector<1024x128xf32>
    %max3A_58 = arith.maximumf %add3A_55, %max3A_57 : vector<1024x128xf32>
    %get3A_59 = arith.constant 0 : index
    %get3A_60 = arith.constant 0 : index
    %get3A_61 = vector.load %arg10[%get3A_59, %get3A_60] : memref<1x128xf32, #tpu.memory_space<vmem>>, vector<1x128xf32>
    %mul3A_62 = vector.broadcast %get3A_61 : vector<1x128xf32> to vector<1024x128xf32>
    %mul3A_63 = arith.mulf %max3A_58, %mul3A_62 : vector<1024x128xf32>
    %reduce_sum3A_64 = arith.constant dense<0.000000e+00> : vector<1024xf32>
    %reduce_sum3A_65 = vector.multi_reduction <add>, %mul3A_63, %reduce_sum3A_64 [1] : vector<1024x128xf32> to vector<1024xf32>
    %broadcast_in_dim3A_66 = vector.shape_cast %reduce_sum3A_65 : vector<1024xf32> to vector<1024x1xf32>
    %add3A_67 = arith.addf %mul3A_15, %broadcast_in_dim3A_21 : vector<1024x1xf32>
    %add3A_68 = arith.addf %add3A_67, %broadcast_in_dim3A_66 : vector<1024x1xf32>
    %get3A_69 = arith.constant 0 : index
    %get3A_70 = arith.constant 0 : index
    %get3A_71 = vector.load %arg11[%get3A_69, %get3A_70] : memref<1x1xf32, #tpu.memory_space<vmem>>, vector<1x1xf32>
    %get3A_72 = vector.extract %get3A_71[0, 0] : f32 from vector<1x1xf32>
    %add3A_73 = vector.broadcast %get3A_72 : f32 to vector<1024x1xf32>
    %add3A_74 = arith.addf %add3A_68, %add3A_73 : vector<1024x1xf32>
    %neg3A = arith.constant 0.000000e+00 : f32
    %neg3A_75 = vector.broadcast %neg3A : f32 to vector<1024x1xf32>
    %neg3A_76 = arith.subf %neg3A_75, %add3A_74 : vector<1024x1xf32>
    %exp3A = math.exp %neg3A_76 : vector<1024x1xf32>
    %add3A_77 = arith.constant 1.000000e+00 : f32
    %add3A_78 = vector.broadcast %add3A_77 : f32 to vector<1024x1xf32>
    %add3A_79 = arith.addf %add3A_78, %exp3A : vector<1024x1xf32>
    %div3A = arith.constant 1.000000e+00 : f32
    %div3A_80 = vector.broadcast %div3A : f32 to vector<1024x1xf32>
    %div3A_81 = arith.divf %div3A_80, %add3A_79 : vector<1024x1xf32>
    %swap3A = arith.constant 0 : index
    %swap3A_82 = arith.constant 0 : index
    %swap3A_83 = vector.load %arg12[%swap3A, %swap3A_82] : memref<1024x1xf32, #tpu.memory_space<vmem>>, vector<1024x1xf32>
    tpu.vector_store %arg12[%swap3A, %swap3A_82], %div3A_81 {strides = array<i32>} : memref<1024x1xf32, #tpu.memory_space<vmem>>, vector<1024x1xf32>,
    return
  }
  func.func @transform_0(%arg0: i32) -> (i32, i32) {
    %c0_i32 = arith.constant 0 : i32
    %c0_i32_0 = arith.constant 0 : i32
    return %arg0, %c0_i32 : i32, i32
  }
  func.func @transform_1(%arg0: i32) -> (i32, i32) {
    %c0_i32 = arith.constant 0 : i32
    %c0_i32_0 = arith.constant 0 : i32
    return %arg0, %c0_i32 : i32, i32
  }
  func.func @transform_2(%arg0: i32) -> (i32, i32) {
    %c0_i32 = arith.constant 0 : i32
    %c0_i32_0 = arith.constant 0 : i32
    %c0_i32_1 = arith.constant 0 : i32
    return %c0_i32, %c0_i32_0 : i32, i32
  }
  func.func @transform_3(%arg0: i32) -> (i32, i32) {
    %c0_i32 = arith.constant 0 : i32
    %c0_i32_0 = arith.constant 0 : i32
    %c0_i32_1 = arith.constant 0 : i32
    return %c0_i32, %c0_i32_0 : i32, i32
  }
  func.func @transform_4(%arg0: i32) -> (i32, i32) {
    %c0_i32 = arith.constant 0 : i32
    %c0_i32_0 = arith.constant 0 : i32
    %c0_i32_1 = arith.constant 0 : i32
    return %c0_i32, %c0_i32_0 : i32, i32
  }
  func.func @transform_5(%arg0: i32) -> (i32, i32) {
    %c0_i32 = arith.constant 0 : i32
    %c0_i32_0 = arith.constant 0 : i32
    %c0_i32_1 = arith.constant 0 : i32
    return %c0_i32, %c0_i32_0 : i32, i32
  }
  func.func @transform_6(%arg0: i32) -> (i32, i32) {
    %c0_i32 = arith.constant 0 : i32
    %c0_i32_0 = arith.constant 0 : i32
    %c0_i32_1 = arith.constant 0 : i32
    return %c0_i32, %c0_i32_0 : i32, i32
  }
  func.func @transform_7(%arg0: i32) -> (i32, i32) {
    %c0_i32 = arith.constant 0 : i32
    %c0_i32_0 = arith.constant 0 : i32
    %c0_i32_1 = arith.constant 0 : i32
    return %c0_i32, %c0_i32_0 : i32, i32
  }
  func.func @transform_8(%arg0: i32) -> (i32, i32) {
    %c0_i32 = arith.constant 0 : i32
    %c0_i32_0 = arith.constant 0 : i32
    %c0_i32_1 = arith.constant 0 : i32
    return %c0_i32, %c0_i32_0 : i32, i32
  }
  func.func @transform_9(%arg0: i32) -> (i32, i32) {
    %c0_i32 = arith.constant 0 : i32
    %c0_i32_0 = arith.constant 0 : i32
    %c0_i32_1 = arith.constant 0 : i32
    return %c0_i32, %c0_i32_0 : i32, i32
  }
  func.func @transform_10(%arg0: i32) -> (i32, i32) {
    %c0_i32 = arith.constant 0 : i32
    %c0_i32_0 = arith.constant 0 : i32
    %c0_i32_1 = arith.constant 0 : i32
    return %c0_i32, %c0_i32_0 : i32, i32
  }
  func.func @transform_11(%arg0: i32) -> (i32, i32) {
    %c0_i32 = arith.constant 0 : i32
    %c0_i32_0 = arith.constant 0 : i32
    return %arg0, %c0_i32 : i32, i32
  }
}

</mosaic_0001>

<sc_bundles>
// kernel: kernel.5.cloned.1.call-start
scs
__scs_entry_jumppad:
0x0: {  	(pc) =	sbr.rel $0x88, $3  }
0x1: {  	(tag) =	ssettag $0x0;
	lr =	simm.s32 $0x1  }
0x2: {  	[smem:$0x3F95] =	sst lr;
	_ =	strace $0xD0000000  }
0x3: {  	_ = 	snop  }
0x4: {  	_ = 	snop  }
0x5: {  	_ = 	snop  }
0x6: {  	_ = 	snop  }
0x7: {  	_ = 	snop  }
__scs_overlays_trampoline_lowered:
0x8: {  	[smem:$0x3FA4] =	sst s0  }
0x9: {  	[smem:$0x3FA5] =	sst s1  }
0xa: {  	[smem:$0x3FA6] =	sst s2  }
0xb: {  	[smem:$0x3FA7] =	sst s3  }
0xc: {  	[smem:$0x3FA8] =	sst s4  }
0xd: {  	[smem:$0x3FA9] =	sst s5  }
0xe: {  	[smem:$0x3FAA] =	sst s6  }
0xf: {  	[smem:$0x3FAB] =	sst s7  }
0x10: {  	[smem:$0x3FAC] =	sst s8  }
0x11: {  	[smem:$0x3FAD] =	sst s9;
	s0 =	simm.s32 @!p0 $0x0  }
0x12: {  	s1 =	sld [smem:$0x3F93];
	s0 =	simm.s32 @p0 $0x1  }
0x13: {  	[smem:$0x3FAE] =	sst s0;
	s0 =	simm.s32 @!p1 $0x0  }
0x14: {  	s2 =	sld [smem:$0x3F92];
	s0 =	simm.s32 @p1 $0x1  }
0x15: {  	[smem:$0x3FAF] =	sst s0;
	s0 =	simm.s32 @!p2 $0x0  }
0x16: {  	s3 =	sld [smem:$0x3FDB];
	s0 =	simm.s32 @p2 $0x1  }
0x17: {  	s4 =	simm.s32 $0x1BF5;
	[smem:$0x3FB1] =	sst s0  }
0x18: {  	s0 =	sld [smem:$0x3F94];
	_ =	swait.ge [sflag:s4], $0x0  }
0x19: {  	s7 =	sld [smem:$0x3F95]  }
0x1a: {  	s8 =	sadd.s32 $0xFFFFE003, lr  }
0x1b: {  	s9 =	sadd.s32 $0xFFFFFEF7, lr;
	s5 =	simm.s32 $0xFFFFFFFF;
	p2 =	slt.u32 s8, $0xFFFFF086  }
0x1c: {  	p1 =	slt.u32 s9, $0xF7A;
	s5 =	simm.s32 @!p2 $0x0  }
0x1d: {  	s5 =	simm.s32 @p1 $0x1;
	p0 =	seq.s32 s7, s2  }
0x1e: {  	s7 =	smul.u32 @!p0 $0xF7A, s2;
	p2 =	seq.s32 @!p0 s5, $0x0  }
0x1f: {  	s9 =	smul.u32 $0xF7A, s1;
	s8 =	simm.s32 @!p0 $0x1BF5;
	p2 =	por !p2, p0  }
0x20: {  	[sflag:s8] =	ssyncset.s32 @!p0 $0xFFFFF086;
	s6 =	sadd.s32 @!p0 s3, s7;
	s7 =	simm.s32 @!p0 $0x108  }
0x21: {  	s3 =	sadd.s32 s3, s9;
	s6 =	sadd.s32 @!p0 $0x88, s6;
	s7 =	simm.s32 @p2 $0x1082  }
0x22: {  	[simem:s7], [sflag:s8] =	dma.local @!p0 [hbm:s6], $0xF7A  }
0x23: {  	s9 =	sor.u32 $0xD0000000, s2;
	s6 =	simm.s32 $0x108;
	_ =	swait.ge @!p0 [sflag:s8], $0x0  }
0x24: {  	s3 =	sadd.s32 $0x88, s3;
	s6 =	simm.s32 @!p1 $0x1082;
	[sflag:s4] =	ssyncset.s32 $0xFFFFF086  }
0x25: {  	[simem:s6], [sflag:s4] =	dma.local [hbm:s3], $0xF7A  }
0x26: {  	[smem:$0x3F95] =	sst s1;
	(tag) =	ssettag s2;
	_ =	strace s9  }
0x27: {  	s1 =	sld [smem:$0x3FA5]  }
0x28: {  	s2 =	sld [smem:$0x3FA6]  }
0x29: {  	s4 =	sld [smem:$0x3FA8]  }
0x2a: {  	p0 =	seq.s32 s5, $0x0;
	s5 =	sld [smem:$0x3FA9]  }
0x2b: {  	s6 =	sld [smem:$0x3FAA]  }
0x2c: {  	s7 =	sld [smem:$0x3FAB]  }
0x2d: {  	s3 =	simm.s32 $0x108;
	s8 =	sld [smem:$0x3FAC]  }
0x2e: {  	s3 =	simm.s32 @!p0 $0x1082;
	s9 =	sld [smem:$0x3FAD]  }
0x2f: {  	lr =	sadd.s32 s0, s3;
	s0 =	sld [smem:$0x3FA4]  }
0x30: {  	s3 =	sld [smem:$0x3FA7]  }
0x31: {  	[smem:$0x3FB0] =	sst s10  }
0x32: {  	s10 =	sld [smem:$0x3FAE];
	_ =	sdelay $0x3  }
0x33: {  	p0 =	seq.s32 s10, $0x1;
	s10 =	sld [smem:$0x3FB0];
	_ =	sdelay $0x3  }
0x34: {  	[smem:$0x3FB0] =	sst s10  }
0x35: {  	s10 =	sld [smem:$0x3FAF];
	_ =	sdelay $0x3  }
0x36: {  	p1 =	seq.s32 s10, $0x1;
	s10 =	sld [smem:$0x3FB0];
	_ =	sdelay $0x3  }
0x37: {  	[smem:$0x3FB0] =	sst s10  }
0x38: {  	s10 =	sld [smem:$0x3FB1]  }
0x39: {  	_ = 	snop;
	(pc) =	sbr.ind lr, $3  }
0x3a: {  	_ = 	snop  }
0x3b: {  	_ = 	snop  }
0x3c: {  	p2 =	seq.s32 s10, $0x1;
	s10 =	sld [smem:$0x3FB0]  }
0x3d: {  	_ =	shalt  }
0x3e: {  	_ =	shalt  }
0x3f: {  	_ =	shalt  }
0x40: {  	_ =	shalt  }
0x41: {  	_ =	shalt  }
0x42: {  	_ =	shalt  }
0x43: {  	_ =	shalt  }
0x44: {  	_ =	shalt  }
0x45: {  	_ =	shalt  }
0x46: {  	_ =	shalt  }
0x47: {  	_ =	shalt  }
0x48: {  	_ =	shalt  }
0x49: {  	_ =	shalt  }
0x4a: {  	_ =	shalt  }
0x4b: {  	_ =	shalt  }
0x4c: {  	_ =	shalt  }
0x4d: {  	_ =	shalt  }
0x4e: {  	_ =	shalt  }
0x4f: {  	_ =	shalt  }
0x50: {  	_ =	shalt  }
0x51: {  	_ =	shalt  }
0x52: {  	_ =	shalt  }
0x53: {  	_ =	shalt  }
0x54: {  	_ =	shalt  }
0x55: {  	_ =	shalt  }
0x56: {  	_ =	shalt  }
0x57: {  	_ =	shalt  }
0x58: {  	_ =	shalt  }
0x59: {  	_ =	shalt  }
0x5a: {  	_ =	shalt  }
0x5b: {  	_ =	shalt  }
0x5c: {  	_ =	shalt  }
0x5d: {  	_ =	shalt  }
0x5e: {  	_ =	shalt  }
0x5f: {  	_ =	shalt  }
0x60: {  	_ =	shalt  }
0x61: {  	_ =	shalt  }
0x62: {  	_ =	shalt  }
0x63: {  	_ =	shalt  }
0x64: {  	_ =	shalt  }
0x65: {  	_ =	shalt  }
0x66: {  	_ =	shalt  }
0x67: {  	_ =	shalt  }
0x68: {  	_ =	shalt  }
0x69: {  	_ =	shalt  }
0x6a: {  	_ =	shalt  }
0x6b: {  	_ =	shalt  }
0x6c: {  	_ =	shalt  }
0x6d: {  	_ =	shalt  }
0x6e: {  	_ =	shalt  }
0x6f: {  	_ =	shalt  }
0x70: {  	_ =	shalt  }
0x71: {  	_ =	shalt  }
0x72: {  	_ =	shalt  }
0x73: {  	_ =	shalt  }
0x74: {  	_ =	shalt  }
0x75: {  	_ =	shalt  }
0x76: {  	_ =	shalt  }
0x77: {  	_ =	shalt  }
0x78: {  	_ =	shalt  }
0x79: {  	_ =	shalt  }
0x7a: {  	_ =	shalt  }
0x7b: {  	_ =	shalt  }
0x7c: {  	_ =	shalt  }
0x7d: {  	_ =	shalt  }
0x7e: {  	_ =	shalt  }
0x7f: {  	_ =	shalt  }
0x80: {  	_ =	shalt  }
0x81: {  	_ =	shalt  }
0x82: {  	_ =	shalt  }
0x83: {  	_ =	shalt  }
0x84: {  	_ =	shalt  }
0x85: {  	_ =	shalt  }
0x86: {  	_ =	shalt  }
0x87: {  	_ =	shalt  }
.Lfunc_end0:
.L_simem_size_0:
called_computation_lowered:
.L_overlay_start_0:
0x88: {  	s2 =	sld [smem:$0x3FD9]  }
0x89: {  	s3 =	sld [smem:$0x3FFE];
	_ =	sdelay $0x1  }
0x8a: {  	s1 =	srdreg.scid  }
0x8b: {  	s0 =	sand.u32 $0x1, s1  }
0x8c: {  	s16 =	sshll.u32 s0, $0xA;
	s2 =	sadd.s32 s3, s2  }
0x8d: {  	s2 =	sadd.s32 s2, s16  }
0x8e: {  	[smem:$0x3FBC] =	sst s2  }
0x8f: {  	_ = 	snop  }
0x90: {  	(tm) =	ssettm $0x1  }
0x91: {  	s17 =	sld [smem:$0x3FFB];
	_ =	sdelay $0x3  }
0x92: {  	_ =	strace s17  }
0x93: {  	s2 =	sld [smem:$0x3FFC];
	_ =	sdelay $0x3  }
0x94: {  	_ =	strace s2  }
0x95: {  	s2 =	sld [smem:$0x3FFD];
	_ =	sdelay $0x3  }
0x96: {  	_ =	strace s2  }
0x97: {  	_ =	strace $0x8FFFFFFF  }
0x98: {  	s18 =	sld [smem:$0x3FDB];
	_ =	sdelay $0x1  }
0x99: {  	s19 =	simm.s32 $_scs_section_size  }
0x9a: {  	s4 =	simm.s32 $_size__tile_overlayer_lowered;
	s5 =	simm.s32 $_tile_overlayer_lowered  }
0x9b: {  	s22 =	simm.s32 $0x1BFF;
	s21 =	sshll.u32 s5, $0x1;
	s2 =	sadd.s32 s19, s18  }
0x9c: {  	s6 =	simm.s32 $0x0;
	s20 =	sshll.u32 s4, $0x1;
	s4 =	sadd.s32 s21, s2  }
0x9d: {  	[timem:s6], [sflag:s22] =	dma.local [hbm:s4], s20  }
0x9e: {  	_ =	swait.ge [sflag:s22], s20  }
0x9f: {  	s3 =	ssub.s32 $0x0, s20;
	[sflag:s22] =	ssyncset.done $0x0  }
0xa0: {  	[sflag:s22] =	ssyncadd.s32 s3;
	_ =	sdelay $0x1  }
0xa1: {  	s23 =	simm.s32 $0x1B8B  }
0xa2: {  	_ =	swait.ge [sflag:s23], $0x1  }
0xa3: {  	[sflag:s23] =	ssyncset.done $0x0  }
0xa4: {  	s25 =	simm.s32 $0x1B8E;
	s24 =	sld [smem:$0x3FFE];
	[sflag:s23] =	ssyncadd.s32 $0xFFFFFFFF  }
0xa5: {  	s26 =	simm.s32 $execute0_lowered;
	[smem:$0x3FD2] =	sst s25  }
0xa6: {  	s4 =	sshll.u32 s26, $0x1;
	_ =	strace $0x80000046;
	[dreg:$0x1] =	wrdreg $0xFFFFFFFF  }
0xa7: {  	s28 =	simm.s32 $_size_execute0_lowered;
	s2 =	sadd.s32 s2, s4;
	[dreg:$0x0] =	wrdreg $0x0  }
0xa8: {  	s4 =	sshll.u32 s28, $0x1;
	[dreg:$0x2] =	wrdreg s2  }
0xa9: {  	[dreg:$0x3] =	wrdreg s4  }
0xaa: {  	[dreg:$0x4] =	wrdreg $0xC0  }
0xab: {  	_ =	task [dreg:s6], $0x5FFFF  }
0xac: {  	[dreg:$0x1] =	wrdreg $0xFFFFFFFF  }
0xad: {  	[dreg:$0x0] =	wrdreg $0x60  }
0xae: {  	[dreg:$0x2] =	wrdreg s24  }
0xaf: {  	[dreg:$0x3] =	wrdreg $0x9  }
0xb0: {  	_ =	task.clear_ibuf [dreg:s6], $0x4FFFF;
	_ =	strace $0x90000046  }
0xb1: {  	s29 =	simm.s32 $0x9;
	_ =	strace $0x80000048  }
0xb2: {  	_ =	swait.ge [sflag:s29], $0x1  }
0xb3: {  	[sflag:s29] =	ssyncadd.s32 $0xFFFFFFFF  }
0xb4: {  	_ =	strace $0x90000048  }
0xb5: {  	_ =	sfence  }
0xb6: {  	s30 =	sld [smem:$0x0];
	_ =	sdelay $0x2  }
0xb7: {  	s31 =	sshll.u32 s1, $0xD;
	s1 =	sshrl.u32 s1, $0x2  }
0xb8: {  	s3 =	sand.u32 $0x4000, s31;
	s1 =	sadd.s32 s1, s30  }
0xb9: {  	s0 =	sor.u32 s3, s0;
	s1 =	sshll.u32 s1, $0x11  }
0xba: {  	s0 =	sor.u32 s1, s0  }
0xbb: {  	s0 =	sadd.s32 $0x8F2B, s0  }
0xbc: {  	[sflag:s0] =	ssyncadd.remote.s32 $0x1  }
0xbd: {  	_ =	sfence.sel $0xFFFF  }
0xbe: {  	[dreg:$0x0] =	wrdreg $0xFFFFFFFF;
	(pc) =	sbr.abs _section_cstart, $3  }
0xbf: {  	[dreg:$0x1] =	wrdreg $0xFFFFFFFF  }
0xc0: {  	_ =	task.clear_ibuf [dreg:s6], $0x2FFFF;
	_ =	strace $0x9FFFFFFF  }
0xc1: {  	(tm) =	ssettm $0x7FFFFFFF  }
tec
execute0_lowered:
.L_overlay_start_1:
0x0: {  	(tag) =	ssettag $0x1  }
0x1: {  	s1 =	srdreg.scid  }
0x2: {  	s0 =	stileid.u32;
	s5 =	rddreg [dreg:$0x0];
	s2 =	simm.s32 $0x0  }
0x3: {  	s9 =	simm.s32 $0x400;
	s10 =	simm.s32 $0x1400;
	s11 =	simm.s32 $0x100  }
0x4: {  	s12 =	simm.s32 $0x2400;
	s13 =	simm.s32 $0x180;
	s14 =	simm.s32 $0x3400  }
0x5: {  	s15 =	simm.s32 $0x200;
	s16 =	simm.s32 $0x4400;
	s17 =	simm.s32 $0x280  }
0x6: {  	s18 =	simm.s32 $0x5400;
	s19 =	simm.s32 $0x300;
	s20 =	simm.s32 $0x6400  }
0x7: {  	s21 =	simm.s32 $0x380;
	s22 =	simm.s32 $0x7400;
	s4 =	smul.u32 $0x6800, s0  }
0x8: {  	s23 =	simm.s32 $0x1;
	s3 =	sand.u32 $0x1, s1;
	s7 =	smul.u32 $0xD0000, s0  }
0x9: {  	s24 =	simm.s32 $0x0;
	s1 =	rddreg [dreg:$0x1];
	s6 =	smul.u32 $0x3400, s3  }
0xa: {  	[smem:$0x7FF] =	sst s2;
	s8 =	smul.u32 $0x68000, s3;
	s26 =	ssub.s32 $0x2, s3  }
0xb: {  	_ =	strace $0x80000047;
	s3 =	sadd.s32 $0xF50400, s5;
	s30 =	sshrl.u32 s26, $0x1  }
0xc: {  	s4 =	sadd.s32 s6, s4;
	s25 =	sadd.s32 s8, s7;
	s31 =	ssub.s32 s26, s30  }
0xd: {  	s7 =	simm.s32 $0x2;
	s4 =	sshrl.u32 s4, $0x3;
	s29 =	sshrl.u32 s25, $0x3  }
0xe: {  	s8 =	simm.s32 $0x80;
	s28 =	sadd.s32 s4, s5;
	s5 =	sadd.s32 s29, s5  }
0xf: {  	s4 =	smax.u32 s31, $0x1;
	s5 =	sadd.s32 $0xDE00, s5;
	s6 =	sadd.s32 $0xE00, s28  }
.LBB2_1:
0x10: {  	s25 =	sadd.s32 $0x0, s6  }
0x11: {  	[tilespmem:s2], [sflag:$0x2] =	stream.linear.gather [hbm4b:s25+s2], $0x400, $0x38;
	[tilespmem:$0x8400] =	vst v63  }
0x12: {  	_ =	swait.ge [sflag:s7], $0x400  }
0x13: {  	[sflag:s7] =	ssyncset.done $0x0  }
0x14: {  	[sflag:s7] =	ssyncadd.s32 $0xFFFFFC00  }
0x15: {  	[tilespmem:s9], [sflag:$0x1] =	stream.indirect.gather [hbm4b:s3+s8], $0x20, s2, s8, $0xb8;
	[tilespmem:$0x8400] =	vst v63  }
0x16: {  	_ = 	snop  }
0x17: {  	[tilespmem:s10], [sflag:$0x1] =	stream.indirect.gather [hbm4b:s3+s8], $0x20, s8, s8, $0xb8;
	[tilespmem:$0x8400] =	vst v63  }
0x18: {  	_ = 	snop  }
0x19: {  	[tilespmem:s12], [sflag:$0x1] =	stream.indirect.gather [hbm4b:s3+s8], $0x20, s11, s8, $0xb8;
	[tilespmem:$0x8400] =	vst v63  }
0x1a: {  	_ = 	snop  }
0x1b: {  	[tilespmem:s14], [sflag:$0x1] =	stream.indirect.gather [hbm4b:s3+s8], $0x20, s13, s8, $0xb8;
	[tilespmem:$0x8400] =	vst v63  }
0x1c: {  	_ = 	snop  }
0x1d: {  	[tilespmem:s16], [sflag:$0x1] =	stream.indirect.gather [hbm4b:s3+s8], $0x20, s15, s8, $0xb8;
	[tilespmem:$0x8400] =	vst v63  }
0x1e: {  	_ = 	snop  }
0x1f: {  	[tilespmem:s18], [sflag:$0x1] =	stream.indirect.gather [hbm4b:s3+s8], $0x20, s17, s8, $0xb8;
	[tilespmem:$0x8400] =	vst v63  }
0x20: {  	_ = 	snop  }
0x21: {  	[tilespmem:s20], [sflag:$0x1] =	stream.indirect.gather [hbm4b:s3+s8], $0x20, s19, s8, $0xb8;
	[tilespmem:$0x8400] =	vst v63  }
0x22: {  	_ = 	snop  }
0x23: {  	[tilespmem:s22], [sflag:$0x1] =	stream.indirect.gather [hbm4b:s3+s8], $0x20, s21, s8, $0xb8;
	[tilespmem:$0x8400] =	vst v63  }
0x24: {  	_ =	swait.ge [sflag:s23], $0x1000  }
0x25: {  	[sflag:s23] =	ssyncset.done $0x0  }
0x26: {  	[sflag:s23] =	ssyncadd.s32 $0xFFFFF000  }
0x27: {  	_ =	swait.ge [sflag:s23], $0x1000  }
0x28: {  	[sflag:s23] =	ssyncset.done $0x0  }
0x29: {  	[sflag:s23] =	ssyncadd.s32 $0xFFFFF000  }
0x2a: {  	_ =	swait.ge [sflag:s23], $0x1000  }
0x2b: {  	[sflag:s23] =	ssyncset.done $0x0  }
0x2c: {  	[sflag:s23] =	ssyncadd.s32 $0xFFFFF000  }
0x2d: {  	_ =	swait.ge [sflag:s23], $0x1000  }
0x2e: {  	[sflag:s23] =	ssyncset.done $0x0  }
0x2f: {  	[sflag:s23] =	ssyncadd.s32 $0xFFFFF000  }
0x30: {  	_ =	swait.ge [sflag:s23], $0x1000  }
0x31: {  	[sflag:s23] =	ssyncset.done $0x0  }
0x32: {  	[sflag:s23] =	ssyncadd.s32 $0xFFFFF000  }
0x33: {  	_ =	swait.ge [sflag:s23], $0x1000  }
0x34: {  	[sflag:s23] =	ssyncset.done $0x0  }
0x35: {  	[sflag:s23] =	ssyncadd.s32 $0xFFFFF000  }
0x36: {  	_ =	swait.ge [sflag:s23], $0x1000  }
0x37: {  	[sflag:s23] =	ssyncset.done $0x0  }
0x38: {  	[sflag:s23] =	ssyncadd.s32 $0xFFFFF000  }
0x39: {  	_ =	swait.ge [sflag:s23], $0x1000  }
0x3a: {  	[sflag:s23] =	ssyncset.done $0x0  }
0x3b: {  	[sflag:s23] =	ssyncadd.s32 $0xFFFFF000  }
0x3c: {  	[hbm4b:s5+s2] =	stream.linear.scatter [tilespmem:s9], [sflag:$0x2], $0x8000, $0x38;
	[tilespmem:$0x8400] =	vst v63  }
0x3d: {  	s26 =	simm.s32 $0x80;
	_ =	swait.ge [sflag:s7], $0x8000  }
0x3e: {  	s29 =	simm.s32 $0x100;
	s25 =	sadd.s32 $0x1000, s5;
	[sflag:s7] =	ssyncset.done $0x0  }
.LBB2_2:
0x3f: {  	s30 =	sadd.s32 s26, s6  }
0x40: {  	[sflag:s7] =	ssyncadd.s32 $0xFFFF8000;
	s26 =	smov.u32 s29;
	s28 =	sadd.s32 $0x80, s29  }
0x41: {  	[tilespmem:s2], [sflag:$0x2] =	stream.linear.gather [hbm4b:s30+s2], $0x400, $0x38;
	[tilespmem:$0x8400] =	vst v63  }
0x42: {  	p0 =	sne.s32 s29, $0x600;
	_ =	swait.ge [sflag:s7], $0x400  }
0x43: {  	[sflag:s7] =	ssyncset.done $0x0  }
0x44: {  	[sflag:s7] =	ssyncadd.s32 $0xFFFFFC00  }
0x45: {  	[tilespmem:s9], [sflag:$0x1] =	stream.indirect.gather [hbm4b:s3+s8], $0x20, s2, s8, $0xb8;
	[tilespmem:$0x8400] =	vst v63  }
0x46: {  	_ = 	snop  }
0x47: {  	[tilespmem:s10], [sflag:$0x1] =	stream.indirect.gather [hbm4b:s3+s8], $0x20, s8, s8, $0xb8;
	[tilespmem:$0x8400] =	vst v63  }
0x48: {  	_ = 	snop  }
0x49: {  	[tilespmem:s12], [sflag:$0x1] =	stream.indirect.gather [hbm4b:s3+s8], $0x20, s11, s8, $0xb8;
	[tilespmem:$0x8400] =	vst v63  }
0x4a: {  	_ = 	snop  }
0x4b: {  	[tilespmem:s14], [sflag:$0x1] =	stream.indirect.gather [hbm4b:s3+s8], $0x20, s13, s8, $0xb8;
	[tilespmem:$0x8400] =	vst v63  }
0x4c: {  	_ = 	snop  }
0x4d: {  	[tilespmem:s16], [sflag:$0x1] =	stream.indirect.gather [hbm4b:s3+s8], $0x20, s15, s8, $0xb8;
	[tilespmem:$0x8400] =	vst v63  }
0x4e: {  	_ = 	snop  }
0x4f: {  	[tilespmem:s18], [sflag:$0x1] =	stream.indirect.gather [hbm4b:s3+s8], $0x20, s17, s8, $0xb8;
	[tilespmem:$0x8400] =	vst v63  }
0x50: {  	_ = 	snop  }
0x51: {  	[tilespmem:s20], [sflag:$0x1] =	stream.indirect.gather [hbm4b:s3+s8], $0x20, s19, s8, $0xb8;
	[tilespmem:$0x8400] =	vst v63  }
0x52: {  	_ = 	snop  }
0x53: {  	[tilespmem:s22], [sflag:$0x1] =	stream.indirect.gather [hbm4b:s3+s8], $0x20, s21, s8, $0xb8;
	[tilespmem:$0x8400] =	vst v63  }
0x54: {  	_ =	swait.ge [sflag:s23], $0x1000  }
0x55: {  	[sflag:s23] =	ssyncset.done $0x0  }
0x56: {  	[sflag:s23] =	ssyncadd.s32 $0xFFFFF000  }
0x57: {  	_ =	swait.ge [sflag:s23], $0x1000  }
0x58: {  	[sflag:s23] =	ssyncset.done $0x0  }
0x59: {  	[sflag:s23] =	ssyncadd.s32 $0xFFFFF000  }
0x5a: {  	_ =	swait.ge [sflag:s23], $0x1000  }
0x5b: {  	[sflag:s23] =	ssyncset.done $0x0  }
0x5c: {  	[sflag:s23] =	ssyncadd.s32 $0xFFFFF000  }
0x5d: {  	_ =	swait.ge [sflag:s23], $0x1000  }
0x5e: {  	[sflag:s23] =	ssyncset.done $0x0  }
0x5f: {  	[sflag:s23] =	ssyncadd.s32 $0xFFFFF000  }
0x60: {  	_ =	swait.ge [sflag:s23], $0x1000  }
0x61: {  	[sflag:s23] =	ssyncset.done $0x0  }
0x62: {  	[sflag:s23] =	ssyncadd.s32 $0xFFFFF000  }
0x63: {  	_ =	swait.ge [sflag:s23], $0x1000  }
0x64: {  	[sflag:s23] =	ssyncset.done $0x0  }
0x65: {  	[sflag:s23] =	ssyncadd.s32 $0xFFFFF000  }
0x66: {  	_ =	swait.ge [sflag:s23], $0x1000  }
0x67: {  	[sflag:s23] =	ssyncset.done $0x0  }
0x68: {  	[sflag:s23] =	ssyncadd.s32 $0xFFFFF000  }
0x69: {  	_ =	swait.ge [sflag:s23], $0x1000  }
.Ltmp0:
0x6a: {  	[sflag:s23] =	ssyncset.done $0x0;
	(pc) =	sbr.rel @p0 .LBB2_2-.Ltmp0, $4  }
0x6b: {  	[sflag:s23] =	ssyncadd.s32 $0xFFFFF000  }
0x6c: {  	[hbm4b:s25+s2] =	stream.linear.scatter [tilespmem:s9], [sflag:$0x2], $0x8000, $0x38;
	[tilespmem:$0x8400] =	vst v63  }
0x6d: {  	_ =	swait.ge [sflag:s7], $0x8000  }
0x6e: {  	s29 =	smov.u32 s28;
	s25 =	sadd.s32 $0x1000, s25;
	[sflag:s7] =	ssyncset.done $0x0  }
0x6f: {  	s26 =	sadd.s32 s26, s6;
	[sflag:s7] =	ssyncadd.s32 $0xFFFF8000  }
0x70: {  	[tilespmem:s2], [sflag:$0x2] =	stream.linear.gather [hbm4b:s26+s2], $0x400, $0x38;
	[tilespmem:$0x8400] =	vst v63  }
0x71: {  	_ =	swait.ge [sflag:s7], $0x400  }
0x72: {  	[sflag:s7] =	ssyncset.done $0x0  }
0x73: {  	[sflag:s7] =	ssyncadd.s32 $0xFFFFFC00  }
0x74: {  	[tilespmem:s9], [sflag:$0x1] =	stream.indirect.gather [hbm4b:s3+s8], $0x20, s2, s8, $0xb8;
	[tilespmem:$0x8400] =	vst v63  }
0x75: {  	_ = 	snop  }
0x76: {  	[tilespmem:s10], [sflag:$0x1] =	stream.indirect.gather [hbm4b:s3+s8], $0x20, s8, s8, $0xb8;
	[tilespmem:$0x8400] =	vst v63  }
0x77: {  	_ = 	snop  }
0x78: {  	[tilespmem:s12], [sflag:$0x1] =	stream.indirect.gather [hbm4b:s3+s8], $0x20, s11, s8, $0xb8;
	[tilespmem:$0x8400] =	vst v63  }
0x79: {  	_ = 	snop  }
0x7a: {  	[tilespmem:s14], [sflag:$0x1] =	stream.indirect.gather [hbm4b:s3+s8], $0x20, s13, s8, $0xb8;
	[tilespmem:$0x8400] =	vst v63  }
0x7b: {  	_ = 	snop  }
0x7c: {  	[tilespmem:s16], [sflag:$0x1] =	stream.indirect.gather [hbm4b:s3+s8], $0x20, s15, s8, $0xb8;
	[tilespmem:$0x8400] =	vst v63  }
0x7d: {  	_ = 	snop  }
0x7e: {  	[tilespmem:s18], [sflag:$0x1] =	stream.indirect.gather [hbm4b:s3+s8], $0x20, s17, s8, $0xb8;
	[tilespmem:$0x8400] =	vst v63  }
0x7f: {  	_ = 	snop  }
0x80: {  	[tilespmem:s20], [sflag:$0x1] =	stream.indirect.gather [hbm4b:s3+s8], $0x20, s19, s8, $0xb8;
	[tilespmem:$0x8400] =	vst v63  }
0x81: {  	_ = 	snop  }
0x82: {  	[tilespmem:s22], [sflag:$0x1] =	stream.indirect.gather [hbm4b:s3+s8], $0x20, s21, s8, $0xb8;
	[tilespmem:$0x8400] =	vst v63  }
0x83: {  	_ =	swait.ge [sflag:s23], $0x1000  }
0x84: {  	[sflag:s23] =	ssyncset.done $0x0  }
0x85: {  	[sflag:s23] =	ssyncadd.s32 $0xFFFFF000  }
0x86: {  	_ =	swait.ge [sflag:s23], $0x1000  }
0x87: {  	[sflag:s23] =	ssyncset.done $0x0  }
0x88: {  	[sflag:s23] =	ssyncadd.s32 $0xFFFFF000  }
0x89: {  	_ =	swait.ge [sflag:s23], $0x1000  }
0x8a: {  	[sflag:s23] =	ssyncset.done $0x0  }
0x8b: {  	[sflag:s23] =	ssyncadd.s32 $0xFFFFF000  }
0x8c: {  	_ =	swait.ge [sflag:s23], $0x1000  }
0x8d: {  	[sflag:s23] =	ssyncset.done $0x0  }
0x8e: {  	[sflag:s23] =	ssyncadd.s32 $0xFFFFF000  }
0x8f: {  	_ =	swait.ge [sflag:s23], $0x1000  }
0x90: {  	[sflag:s23] =	ssyncset.done $0x0  }
0x91: {  	[sflag:s23] =	ssyncadd.s32 $0xFFFFF000  }
0x92: {  	_ =	swait.ge [sflag:s23], $0x1000  }
0x93: {  	[sflag:s23] =	ssyncset.done $0x0  }
0x94: {  	[sflag:s23] =	ssyncadd.s32 $0xFFFFF000  }
0x95: {  	_ =	swait.ge [sflag:s23], $0x1000  }
0x96: {  	[sflag:s23] =	ssyncset.done $0x0  }
0x97: {  	[sflag:s23] =	ssyncadd.s32 $0xFFFFF000  }
0x98: {  	s24 =	sadd.s32 $0x1, s24;
	_ =	swait.ge [sflag:s23], $0x1000  }
0x99: {  	p0 =	sne.s32 s24, s4;
	[sflag:s23] =	ssyncset.done $0x0  }
.Ltmp1:
0x9a: {  	[sflag:s23] =	ssyncadd.s32 $0xFFFFF000;
	(pc) =	sbr.rel @p0 .LBB2_1-.Ltmp1, $4  }
0x9b: {  	[hbm4b:s25+s2] =	stream.linear.scatter [tilespmem:s9], [sflag:$0x2], $0x8000, $0x38;
	[tilespmem:$0x8400] =	vst v63  }
0x9c: {  	_ =	swait.ge [sflag:s7], $0x8000  }
0x9d: {  	[sflag:s7] =	ssyncset.done $0x0  }
0x9e: {  	[sflag:s7] =	ssyncadd.s32 $0xFFFF8000  }
0x9f: {  	_ =	sfence.sel $0x180000  }
0xa0: {  	[bflag:$0x0] =	sbarrier.arrive $0xFFFF  }
0xa1: {  	p0 =	sne.s32 s0, $0x0;
	_ =	strace $0x90000047  }
0xa2: {  	s0 =	sadd.s32 @!p0 $0x100000, s1;
	[bflag:$0x2] =	sbarrier.arrive $0xFFFF  }
0xa3: {  	[sflag:s0] =	ssyncadd.tile.s32 @!p0 $0x1;
	_ =	shalt  }
.Lfunc_end2:
_tile_overlayer_lowered:
.L_overlay_start_2:
0xa4: {  	(tag) =	ssettag $0x2  }
0xa5: {  	s0 =	rddreg [dreg:$0x0];
	s2 =	stileid.u32  }
0xa6: {  	s1 =	rddreg [dreg:$0x1];
	p0 =	sne.s32 s2, $0x0  }
0xa7: {  	s3 =	rddreg [dreg:$0x2];
	[bflag:$0x3] =	sbarrier.arrive $0xFFFF;
	s2 =	simm.s32 @!p0 $0x1C02  }
0xa8: {  	[timem:s3], [sflag:s2] =	dma.local @!p0 [hbm:s0], s1  }
0xa9: {  	s0 =	simm.s32 @!p0 $0x2  }
0xaa: {  	_ =	swait.ge @!p0 [sflag:s0], s1  }
0xab: {  	s1 =	ssub.s32 @!p0 $0x0, s1;
	[sflag:s0] =	ssyncset.done @!p0 $0x0  }
0xac: {  	[sflag:s0] =	ssyncadd.s32 @!p0 s1  }
0xad: {  	[bflag:$0x3] =	sbarrier.arrive $0xFFFF  }
0xae: {  	_ =	shalt  }

// kernel: kernel.8.cloned.1.call-start
scs
__scs_entry_jumppad:
0x0: {  	(pc) =	sbr.rel $0x88, $3  }
0x1: {  	(tag) =	ssettag $0x0;
	lr =	simm.s32 $0x1  }
0x2: {  	[smem:$0x3F95] =	sst lr;
	_ =	strace $0xD0000000  }
0x3: {  	_ = 	snop  }
0x4: {  	_ = 	snop  }
0x5: {  	_ = 	snop  }
0x6: {  	_ = 	snop  }
0x7: {  	_ = 	snop  }
__scs_overlays_trampoline_lowered:
0x8: {  	[smem:$0x3FA4] =	sst s0  }
0x9: {  	[smem:$0x3FA5] =	sst s1  }
0xa: {  	[smem:$0x3FA6] =	sst s2  }
0xb: {  	[smem:$0x3FA7] =	sst s3  }
0xc: {  	[smem:$0x3FA8] =	sst s4  }
0xd: {  	[smem:$0x3FA9] =	sst s5  }
0xe: {  	[smem:$0x3FAA] =	sst s6  }
0xf: {  	[smem:$0x3FAB] =	sst s7  }
0x10: {  	[smem:$0x3FAC] =	sst s8  }
0x11: {  	[smem:$0x3FAD] =	sst s9;
	s0 =	simm.s32 @!p0 $0x0  }
0x12: {  	s1 =	sld [smem:$0x3F93];
	s0 =	simm.s32 @p0 $0x1  }
0x13: {  	[smem:$0x3FAE] =	sst s0;
	s0 =	simm.s32 @!p1 $0x0  }
0x14: {  	s2 =	sld [smem:$0x3F92];
	s0 =	simm.s32 @p1 $0x1  }
0x15: {  	[smem:$0x3FAF] =	sst s0;
	s0 =	simm.s32 @!p2 $0x0  }
0x16: {  	s3 =	sld [smem:$0x3FDB];
	s0 =	simm.s32 @p2 $0x1  }
0x17: {  	s4 =	simm.s32 $0x1BF5;
	[smem:$0x3FB1] =	sst s0  }
0x18: {  	s0 =	sld [smem:$0x3F94];
	_ =	swait.ge [sflag:s4], $0x0  }
0x19: {  	s7 =	sld [smem:$0x3F95]  }
0x1a: {  	s8 =	sadd.s32 $0xFFFFE003, lr  }
0x1b: {  	s9 =	sadd.s32 $0xFFFFFEF7, lr;
	s5 =	simm.s32 $0xFFFFFFFF;
	p2 =	slt.u32 s8, $0xFFFFF086  }
0x1c: {  	p1 =	slt.u32 s9, $0xF7A;
	s5 =	simm.s32 @!p2 $0x0  }
0x1d: {  	s5 =	simm.s32 @p1 $0x1;
	p0 =	seq.s32 s7, s2  }
0x1e: {  	s7 =	smul.u32 @!p0 $0xF7A, s2;
	p2 =	seq.s32 @!p0 s5, $0x0  }
0x1f: {  	s9 =	smul.u32 $0xF7A, s1;
	s8 =	simm.s32 @!p0 $0x1BF5;
	p2 =	por !p2, p0  }
0x20: {  	[sflag:s8] =	ssyncset.s32 @!p0 $0xFFFFF086;
	s6 =	sadd.s32 @!p0 s3, s7;
	s7 =	simm.s32 @!p0 $0x108  }
0x21: {  	s3 =	sadd.s32 s3, s9;
	s6 =	sadd.s32 @!p0 $0x88, s6;
	s7 =	simm.s32 @p2 $0x1082  }
0x22: {  	[simem:s7], [sflag:s8] =	dma.local @!p0 [hbm:s6], $0xF7A  }
0x23: {  	s9 =	sor.u32 $0xD0000000, s2;
	s6 =	simm.s32 $0x108;
	_ =	swait.ge @!p0 [sflag:s8], $0x0  }
0x24: {  	s3 =	sadd.s32 $0x88, s3;
	s6 =	simm.s32 @!p1 $0x1082;
	[sflag:s4] =	ssyncset.s32 $0xFFFFF086  }
0x25: {  	[simem:s6], [sflag:s4] =	dma.local [hbm:s3], $0xF7A  }
0x26: {  	[smem:$0x3F95] =	sst s1;
	(tag) =	ssettag s2;
	_ =	strace s9  }
0x27: {  	s1 =	sld [smem:$0x3FA5]  }
0x28: {  	s2 =	sld [smem:$0x3FA6]  }
0x29: {  	s4 =	sld [smem:$0x3FA8]  }
0x2a: {  	p0 =	seq.s32 s5, $0x0;
	s5 =	sld [smem:$0x3FA9]  }
0x2b: {  	s6 =	sld [smem:$0x3FAA]  }
0x2c: {  	s7 =	sld [smem:$0x3FAB]  }
0x2d: {  	s3 =	simm.s32 $0x108;
	s8 =	sld [smem:$0x3FAC]  }
0x2e: {  	s3 =	simm.s32 @!p0 $0x1082;
	s9 =	sld [smem:$0x3FAD]  }
0x2f: {  	lr =	sadd.s32 s0, s3;
	s0 =	sld [smem:$0x3FA4]  }
0x30: {  	s3 =	sld [smem:$0x3FA7]  }
0x31: {  	[smem:$0x3FB0] =	sst s10  }
0x32: {  	s10 =	sld [smem:$0x3FAE];
	_ =	sdelay $0x3  }
0x33: {  	p0 =	seq.s32 s10, $0x1;
	s10 =	sld [smem:$0x3FB0];
	_ =	sdelay $0x3  }
0x34: {  	[smem:$0x3FB0] =	sst s10  }
0x35: {  	s10 =	sld [smem:$0x3FAF];
	_ =	sdelay $0x3  }
0x36: {  	p1 =	seq.s32 s10, $0x1;
	s10 =	sld [smem:$0x3FB0];
	_ =	sdelay $0x3  }
0x37: {  	[smem:$0x3FB0] =	sst s10  }
0x38: {  	s10 =	sld [smem:$0x3FB1]  }
0x39: {  	_ = 	snop;
	(pc) =	sbr.ind lr, $3  }
0x3a: {  	_ = 	snop  }
0x3b: {  	_ = 	snop  }
0x3c: {  	p2 =	seq.s32 s10, $0x1;
	s10 =	sld [smem:$0x3FB0]  }
0x3d: {  	_ =	shalt  }
0x3e: {  	_ =	shalt  }
0x3f: {  	_ =	shalt  }
0x40: {  	_ =	shalt  }
0x41: {  	_ =	shalt  }
0x42: {  	_ =	shalt  }
0x43: {  	_ =	shalt  }
0x44: {  	_ =	shalt  }
0x45: {  	_ =	shalt  }
0x46: {  	_ =	shalt  }
0x47: {  	_ =	shalt  }
0x48: {  	_ =	shalt  }
0x49: {  	_ =	shalt  }
0x4a: {  	_ =	shalt  }
0x4b: {  	_ =	shalt  }
0x4c: {  	_ =	shalt  }
0x4d: {  	_ =	shalt  }
0x4e: {  	_ =	shalt  }
0x4f: {  	_ =	shalt  }
0x50: {  	_ =	shalt  }
0x51: {  	_ =	shalt  }
0x52: {  	_ =	shalt  }
0x53: {  	_ =	shalt  }
0x54: {  	_ =	shalt  }
0x55: {  	_ =	shalt  }
0x56: {  	_ =	shalt  }
0x57: {  	_ =	shalt  }
0x58: {  	_ =	shalt  }
0x59: {  	_ =	shalt  }
0x5a: {  	_ =	shalt  }
0x5b: {  	_ =	shalt  }
0x5c: {  	_ =	shalt  }
0x5d: {  	_ =	shalt  }
0x5e: {  	_ =	shalt  }
0x5f: {  	_ =	shalt  }
0x60: {  	_ =	shalt  }
0x61: {  	_ =	shalt  }
0x62: {  	_ =	shalt  }
0x63: {  	_ =	shalt  }
0x64: {  	_ =	shalt  }
0x65: {  	_ =	shalt  }
0x66: {  	_ =	shalt  }
0x67: {  	_ =	shalt  }
0x68: {  	_ =	shalt  }
0x69: {  	_ =	shalt  }
0x6a: {  	_ =	shalt  }
0x6b: {  	_ =	shalt  }
0x6c: {  	_ =	shalt  }
0x6d: {  	_ =	shalt  }
0x6e: {  	_ =	shalt  }
0x6f: {  	_ =	shalt  }
0x70: {  	_ =	shalt  }
0x71: {  	_ =	shalt  }
0x72: {  	_ =	shalt  }
0x73: {  	_ =	shalt  }
0x74: {  	_ =	shalt  }
0x75: {  	_ =	shalt  }
0x76: {  	_ =	shalt  }
0x77: {  	_ =	shalt  }
0x78: {  	_ =	shalt  }
0x79: {  	_ =	shalt  }
0x7a: {  	_ =	shalt  }
0x7b: {  	_ =	shalt  }
0x7c: {  	_ =	shalt  }
0x7d: {  	_ =	shalt  }
0x7e: {  	_ =	shalt  }
0x7f: {  	_ =	shalt  }
0x80: {  	_ =	shalt  }
0x81: {  	_ =	shalt  }
0x82: {  	_ =	shalt  }
0x83: {  	_ =	shalt  }
0x84: {  	_ =	shalt  }
0x85: {  	_ =	shalt  }
0x86: {  	_ =	shalt  }
0x87: {  	_ =	shalt  }
.Lfunc_end0:
.L_simem_size_0:
called_computation.1_lowered:
.L_overlay_start_0:
0x88: {  	s2 =	sld [smem:$0x3FD9]  }
0x89: {  	s3 =	sld [smem:$0x3FFE];
	_ =	sdelay $0x1  }
0x8a: {  	s1 =	srdreg.scid  }
0x8b: {  	s0 =	sand.u32 $0x1, s1  }
0x8c: {  	s17 =	sshll.u32 s0, $0xA;
	s2 =	sadd.s32 s3, s2  }
0x8d: {  	s2 =	sadd.s32 s2, s17  }
0x8e: {  	[smem:$0x3FBC] =	sst s2  }
0x8f: {  	_ = 	snop  }
0x90: {  	(tm) =	ssettm $0x1  }
0x91: {  	s18 =	sld [smem:$0x3FFB];
	_ =	sdelay $0x3  }
0x92: {  	_ =	strace s18  }
0x93: {  	s2 =	sld [smem:$0x3FFC];
	_ =	sdelay $0x3  }
0x94: {  	_ =	strace s2  }
0x95: {  	s2 =	sld [smem:$0x3FFD];
	_ =	sdelay $0x3  }
0x96: {  	_ =	strace s2  }
0x97: {  	_ =	strace $0x8FFFFFFF  }
0x98: {  	s19 =	sld [smem:$0x3FDB];
	_ =	sdelay $0x1  }
0x99: {  	s20 =	simm.s32 $_scs_section_size  }
0x9a: {  	s4 =	simm.s32 $_size__tile_overlayer_lowered;
	s5 =	simm.s32 $_tile_overlayer_lowered  }
0x9b: {  	s6 =	simm.s32 $0x1BFF;
	s21 =	sshll.u32 s5, $0x1;
	s3 =	sadd.s32 s20, s19  }
0x9c: {  	s22 =	simm.s32 $0x0;
	s4 =	sshll.u32 s4, $0x1;
	s5 =	sadd.s32 s21, s3  }
0x9d: {  	[timem:s22], [sflag:s6] =	dma.local [hbm:s5], s4  }
0x9e: {  	_ =	swait.ge [sflag:s6], s4  }
0x9f: {  	s4 =	ssub.s32 $0x0, s4;
	[sflag:s6] =	ssyncset.done $0x0  }
0xa0: {  	[sflag:s6] =	ssyncadd.s32 s4;
	_ =	sdelay $0x1  }
0xa1: {  	s23 =	simm.s32 $0x1B8B  }
0xa2: {  	_ =	swait.ge [sflag:s23], $0x1  }
0xa3: {  	[sflag:s23] =	ssyncset.done $0x0  }
0xa4: {  	[sflag:s23] =	ssyncadd.s32 $0xFFFFFFFF  }
0xa5: {  	s4 =	sld [smem:$0x0]  }
0xa6: {  	s5 =	sand.u32 $0xFFFFFFFE, s1  }
0xa7: {  	p0 =	sne.s32 s1, s5  }
0xa8: {  	s5 =	sshll.u32 @p0 s5, $0xE  }
0xa9: {  	s5 =	sadd.s32 @p0 $0x11B8D, s5;
	s6 =	sshll.u32 @p0 s4, $0x11  }
0xaa: {  	s5 =	sor.u32 @p0 s6, s5  }
0xab: {  	[sflag:s5] =	ssyncadd.remote.s32 @p0 $0x1;
	_ =	sdelay $0x1  }
0xac: {  	s5 =	simm.s32 @p0 $0x1B8D  }
0xad: {  	_ =	swait.eq @p0 [sflag:s5], $0x1  }
0xae: {  	[sflag:s5] =	ssyncadd.s32 @p0 $0xFFFFFFFF  }
0xaf: {  	s6 =	sshll.u32 @!p0 s1, $0xE  }
0xb0: {  	s6 =	sor.u32 @!p0 $0x4000, s6;
	s5 =	simm.s32 @!p0 $0x1B8D  }
0xb1: {  	s4 =	sshll.u32 @!p0 s4, $0x11;
	s6 =	sadd.s32 @!p0 $0x11B8D, s6;
	_ =	swait.eq @!p0 [sflag:s5], $0x1  }
0xb2: {  	s4 =	sor.u32 @!p0 s4, s6;
	[sflag:s5] =	ssyncadd.s32 @!p0 $0xFFFFFFFF  }
0xb3: {  	s25 =	simm.s32 $0x1B8E;
	s24 =	sld [smem:$0x3FFE];
	[sflag:s4] =	ssyncadd.remote.s32 @!p0 $0x1  }
0xb4: {  	s26 =	simm.s32 $execute0_lowered;
	[smem:$0x3FD2] =	sst s25  }
0xb5: {  	s5 =	sshll.u32 s26, $0x1;
	_ =	strace $0x80000049;
	[dreg:$0x1] =	wrdreg $0xFFFFFFFF  }
0xb6: {  	s28 =	simm.s32 $_size_execute0_lowered;
	s3 =	sadd.s32 s3, s5;
	[dreg:$0x0] =	wrdreg $0x0  }
0xb7: {  	s5 =	sshll.u32 s28, $0x1;
	[dreg:$0x2] =	wrdreg s3  }
0xb8: {  	[dreg:$0x3] =	wrdreg s5  }
0xb9: {  	[dreg:$0x4] =	wrdreg $0xC0  }
0xba: {  	_ =	task [dreg:s22], $0x5FFFF  }
0xbb: {  	[dreg:$0x1] =	wrdreg $0xFFFFFFFF  }
0xbc: {  	[dreg:$0x0] =	wrdreg $0x60  }
0xbd: {  	[dreg:$0x2] =	wrdreg s24  }
0xbe: {  	[dreg:$0x3] =	wrdreg $0xA  }
0xbf: {  	_ =	task.clear_ibuf [dreg:s22], $0x4FFFF;
	_ =	strace $0x90000049  }
0xc0: {  	s29 =	simm.s32 $0xA;
	_ =	strace $0x8000004B  }
0xc1: {  	_ =	swait.ge [sflag:s29], $0x1  }
0xc2: {  	[sflag:s29] =	ssyncadd.s32 $0xFFFFFFFF  }
0xc3: {  	_ =	strace $0x9000004B  }
0xc4: {  	_ =	sfence  }
0xc5: {  	s30 =	sld [smem:$0x0];
	_ =	sdelay $0x2  }
0xc6: {  	s31 =	sshll.u32 s1, $0xD;
	s1 =	sshrl.u32 s1, $0x2  }
0xc7: {  	s4 =	sand.u32 $0x4000, s31;
	s1 =	sadd.s32 s1, s30  }
0xc8: {  	s0 =	sor.u32 s4, s0;
	s1 =	sshll.u32 s1, $0x11  }
0xc9: {  	s0 =	sor.u32 s1, s0  }
0xca: {  	s0 =	sadd.s32 $0x8F2B, s0  }
0xcb: {  	[sflag:s0] =	ssyncadd.remote.s32 $0x1  }
0xcc: {  	_ =	sfence.sel $0xFFFF  }
0xcd: {  	[dreg:$0x0] =	wrdreg $0xFFFFFFFF;
	(pc) =	sbr.abs _section_cstart, $3  }
0xce: {  	[dreg:$0x1] =	wrdreg $0xFFFFFFFF  }
0xcf: {  	_ =	task.clear_ibuf [dreg:s22], $0x2FFFF;
	_ =	strace $0x9FFFFFFF  }
0xd0: {  	(tm) =	ssettm $0x7FFFFFFF  }
0xd1: {  	_ =	shalt  }
tec
execute0_lowered:
.L_overlay_start_1:
0x0: {  	(tag) =	ssettag $0x1  }
0x1: {  	s1 =	srdreg.scid  }
0x2: {  	s0 =	stileid.u32;
	s4 =	rddreg [dreg:$0x0]  }
0x3: {  	s2 =	simm.s32 $0x0;
	s7 =	simm.s32 $0x2;
	s8 =	simm.s32 $0x80  }
0x4: {  	s9 =	simm.s32 $0x1;
	s3 =	sand.u32 $0x1, s1;
	s5 =	sshll.u32 s0, $0x1  }
0x5: {  	s10 =	simm.s32 $0x3400;
	s11 =	simm.s32 $0x0;
	s5 =	sor.u32 s3, s5  }
0x6: {  	[smem:$0x7FF] =	sst s2;
	s6 =	ssub.s32 $0x2, s3;
	s5 =	smul.u32 $0x680, s5  }
0x7: {  	s1 =	rddreg [dreg:$0x1];
	_ =	strace $0x8000004A;
	s31 =	sshrl.u32 s6, $0x1  }
0x8: {  	s3 =	sadd.s32 $0x1ADE00, s4;
	s6 =	ssub.s32 s6, s31;
	s5 =	sadd.s32 s5, s4  }
0x9: {  	s6 =	smax.u32 s6, $0x1;
	s4 =	sadd.s32 $0xE00, s5;
	s5 =	sadd.s32 $0x1CC800, s5  }
.LBB2_1:
0xa: {  	[tilespmem:s2], [sflag:$0x2] =	stream.linear.gather [hbm4b:s4+s2], $0x3400, $0x38;
	[tilespmem:$0x6800] =	vst v63  }
0xb: {  	_ =	swait.ge [sflag:s7], $0x3400  }
0xc: {  	[sflag:s7] =	ssyncset.done $0x0  }
0xd: {  	s12 =	simm.s32 $0x0;
	s13 =	simm.s32 $0x3400;
	[sflag:s7] =	ssyncadd.s32 $0xFFFFCC00  }
0xe: {  	[tilespmem:s13], [sflag:$0x1] =	stream.indirect.gather [hbm4b:s3+s8], $0x1, s12, s8, $0xb8;
	[tilespmem:$0x6800] =	vst v63  }
0xf: {  	s17 =	simm.s32 $0x3480;
	s18 =	simm.s32 $0x80  }
0x10: {  	[tilespmem:s17], [sflag:$0x1] =	stream.indirect.gather [hbm4b:s3+s8], $0x1, s18, s8, $0xb8;
	[tilespmem:$0x6800] =	vst v63  }
0x11: {  	s19 =	simm.s32 $0x3500;
	s20 =	simm.s32 $0x100  }
0x12: {  	[tilespmem:s19], [sflag:$0x1] =	stream.indirect.gather [hbm4b:s3+s8], $0x1, s20, s8, $0xb8;
	[tilespmem:$0x6800] =	vst v63  }
0x13: {  	s21 =	simm.s32 $0x3580;
	s22 =	simm.s32 $0x180  }
0x14: {  	[tilespmem:s21], [sflag:$0x1] =	stream.indirect.gather [hbm4b:s3+s8], $0x1, s22, s8, $0xb8;
	[tilespmem:$0x6800] =	vst v63  }
0x15: {  	s23 =	simm.s32 $0x3600;
	s24 =	simm.s32 $0x200  }
0x16: {  	[tilespmem:s23], [sflag:$0x1] =	stream.indirect.gather [hbm4b:s3+s8], $0x1, s24, s8, $0xb8;
	[tilespmem:$0x6800] =	vst v63  }
0x17: {  	s25 =	simm.s32 $0x3680;
	s26 =	simm.s32 $0x280  }
0x18: {  	[tilespmem:s25], [sflag:$0x1] =	stream.indirect.gather [hbm4b:s3+s8], $0x1, s26, s8, $0xb8;
	[tilespmem:$0x6800] =	vst v63  }
0x19: {  	s28 =	simm.s32 $0x3700;
	s29 =	simm.s32 $0x300  }
0x1a: {  	[tilespmem:s28], [sflag:$0x1] =	stream.indirect.gather [hbm4b:s3+s8], $0x1, s29, s8, $0xb8;
	[tilespmem:$0x6800] =	vst v63  }
0x1b: {  	s30 =	simm.s32 $0x3780;
	s31 =	simm.s32 $0x380  }
0x1c: {  	[tilespmem:s30], [sflag:$0x1] =	stream.indirect.gather [hbm4b:s3+s8], $0x1, s31, s8, $0xb8;
	[tilespmem:$0x6800] =	vst v63  }
0x1d: {  	_ =	swait.ge [sflag:s9], $0x80  }
0x1e: {  	[sflag:s9] =	ssyncset.done $0x0  }
0x1f: {  	[sflag:s9] =	ssyncadd.s32 $0xFFFFFF80  }
0x20: {  	_ =	swait.ge [sflag:s9], $0x80  }
0x21: {  	[sflag:s9] =	ssyncset.done $0x0  }
0x22: {  	[sflag:s9] =	ssyncadd.s32 $0xFFFFFF80  }
0x23: {  	_ =	swait.ge [sflag:s9], $0x80  }
0x24: {  	[sflag:s9] =	ssyncset.done $0x0  }
0x25: {  	[sflag:s9] =	ssyncadd.s32 $0xFFFFFF80  }
0x26: {  	_ =	swait.ge [sflag:s9], $0x80  }
0x27: {  	[sflag:s9] =	ssyncset.done $0x0  }
0x28: {  	[sflag:s9] =	ssyncadd.s32 $0xFFFFFF80  }
0x29: {  	_ =	swait.ge [sflag:s9], $0x80  }
0x2a: {  	[sflag:s9] =	ssyncset.done $0x0  }
0x2b: {  	[sflag:s9] =	ssyncadd.s32 $0xFFFFFF80  }
0x2c: {  	_ =	swait.ge [sflag:s9], $0x80  }
0x2d: {  	[sflag:s9] =	ssyncset.done $0x0  }
0x2e: {  	[sflag:s9] =	ssyncadd.s32 $0xFFFFFF80  }
0x2f: {  	_ =	swait.ge [sflag:s9], $0x80  }
0x30: {  	[sflag:s9] =	ssyncset.done $0x0  }
0x31: {  	[sflag:s9] =	ssyncadd.s32 $0xFFFFFF80  }
0x32: {  	_ =	swait.ge [sflag:s9], $0x80  }
0x33: {  	s15 =	simm.s32 $0x2000;
	s14 =	simm.s32 $0x400;
	[sflag:s9] =	ssyncset.done $0x0  }
.LBB2_2:
0x34: {  	s16 =	sadd.s32 $0x3400, s14  }
0x35: {  	[sflag:s9] =	ssyncadd.s32 $0xFFFFFF80;
	s13 =	smov.u32 s15;
	s12 =	sadd.s32 $0x1000, s15  }
0x36: {  	[tilespmem:s16], [sflag:$0x1] =	stream.indirect.gather [hbm4b:s3+s8], $0x1, s14, s8, $0xb8;
	[tilespmem:$0x6800] =	vst v63  }
0x37: {  	p0 =	sne.s32 s15, $0xC000;
	s15 =	sadd.s32 $0x3480, s14;
	s16 =	sadd.s32 $0x80, s14  }
0x38: {  	[tilespmem:s15], [sflag:$0x1] =	stream.indirect.gather [hbm4b:s3+s8], $0x1, s16, s8, $0xb8;
	[tilespmem:$0x6800] =	vst v63  }
0x39: {  	s15 =	sadd.s32 $0x3500, s14;
	s16 =	sadd.s32 $0x100, s14  }
0x3a: {  	[tilespmem:s15], [sflag:$0x1] =	stream.indirect.gather [hbm4b:s3+s8], $0x1, s16, s8, $0xb8;
	[tilespmem:$0x6800] =	vst v63  }
0x3b: {  	s15 =	sadd.s32 $0x3580, s14;
	s16 =	sadd.s32 $0x180, s14  }
0x3c: {  	[tilespmem:s15], [sflag:$0x1] =	stream.indirect.gather [hbm4b:s3+s8], $0x1, s16, s8, $0xb8;
	[tilespmem:$0x6800] =	vst v63  }
0x3d: {  	s15 =	sadd.s32 $0x3600, s14;
	s16 =	sadd.s32 $0x200, s14  }
0x3e: {  	[tilespmem:s15], [sflag:$0x1] =	stream.indirect.gather [hbm4b:s3+s8], $0x1, s16, s8, $0xb8;
	[tilespmem:$0x6800] =	vst v63  }
0x3f: {  	s15 =	sadd.s32 $0x3680, s14;
	s16 =	sadd.s32 $0x280, s14  }
0x40: {  	[tilespmem:s15], [sflag:$0x1] =	stream.indirect.gather [hbm4b:s3+s8], $0x1, s16, s8, $0xb8;
	[tilespmem:$0x6800] =	vst v63  }
0x41: {  	s15 =	sadd.s32 $0x3700, s14;
	s16 =	sadd.s32 $0x300, s14  }
0x42: {  	[tilespmem:s15], [sflag:$0x1] =	stream.indirect.gather [hbm4b:s3+s8], $0x1, s16, s8, $0xb8;
	[tilespmem:$0x6800] =	vst v63  }
0x43: {  	s15 =	sadd.s32 $0x3780, s14;
	s14 =	sadd.s32 $0x380, s14  }
0x44: {  	[tilespmem:s15], [sflag:$0x1] =	stream.indirect.gather [hbm4b:s3+s8], $0x1, s14, s8, $0xb8;
	[tilespmem:$0x6800] =	vst v63  }
0x45: {  	_ =	swait.ge [sflag:s9], $0x80  }
0x46: {  	[sflag:s9] =	ssyncset.done $0x0  }
0x47: {  	[sflag:s9] =	ssyncadd.s32 $0xFFFFFF80  }
0x48: {  	_ =	swait.ge [sflag:s9], $0x80  }
0x49: {  	[sflag:s9] =	ssyncset.done $0x0  }
0x4a: {  	[sflag:s9] =	ssyncadd.s32 $0xFFFFFF80  }
0x4b: {  	_ =	swait.ge [sflag:s9], $0x80  }
0x4c: {  	[sflag:s9] =	ssyncset.done $0x0  }
0x4d: {  	[sflag:s9] =	ssyncadd.s32 $0xFFFFFF80  }
0x4e: {  	_ =	swait.ge [sflag:s9], $0x80  }
0x4f: {  	[sflag:s9] =	ssyncset.done $0x0  }
0x50: {  	[sflag:s9] =	ssyncadd.s32 $0xFFFFFF80  }
0x51: {  	_ =	swait.ge [sflag:s9], $0x80  }
0x52: {  	[sflag:s9] =	ssyncset.done $0x0  }
0x53: {  	[sflag:s9] =	ssyncadd.s32 $0xFFFFFF80  }
0x54: {  	_ =	swait.ge [sflag:s9], $0x80  }
0x55: {  	[sflag:s9] =	ssyncset.done $0x0  }
0x56: {  	[sflag:s9] =	ssyncadd.s32 $0xFFFFFF80  }
.Ltmp0:
0x57: {  	_ =	swait.ge [sflag:s9], $0x80;
	(pc) =	sbr.rel @p0 .LBB2_2-.Ltmp0, $4  }
0x58: {  	[sflag:s9] =	ssyncset.done $0x0  }
0x59: {  	[sflag:s9] =	ssyncadd.s32 $0xFFFFFF80  }
0x5a: {  	_ =	swait.ge [sflag:s9], $0x80  }
0x5b: {  	s14 =	sshra.s32 s13, $0x2;
	s15 =	smov.u32 s12;
	[sflag:s9] =	ssyncset.done $0x0  }
0x5c: {  	s12 =	sadd.s32 $0x3400, s14;
	[sflag:s9] =	ssyncadd.s32 $0xFFFFFF80  }
0x5d: {  	[tilespmem:s12], [sflag:$0x1] =	stream.indirect.gather [hbm4b:s3+s8], $0x1, s14, s8, $0xb8;
	[tilespmem:$0x6800] =	vst v63  }
0x5e: {  	s18 =	sadd.s32 $0x3480, s14;
	s13 =	sadd.s32 $0x80, s14  }
0x5f: {  	[tilespmem:s18], [sflag:$0x1] =	stream.indirect.gather [hbm4b:s3+s8], $0x1, s13, s8, $0xb8;
	[tilespmem:$0x6800] =	vst v63  }
0x60: {  	s19 =	sadd.s32 $0x3500, s14;
	s20 =	sadd.s32 $0x100, s14  }
0x61: {  	[tilespmem:s19], [sflag:$0x1] =	stream.indirect.gather [hbm4b:s3+s8], $0x1, s20, s8, $0xb8;
	[tilespmem:$0x6800] =	vst v63  }
0x62: {  	s21 =	sadd.s32 $0x3580, s14;
	s22 =	sadd.s32 $0x180, s14  }
0x63: {  	[tilespmem:s21], [sflag:$0x1] =	stream.indirect.gather [hbm4b:s3+s8], $0x1, s22, s8, $0xb8;
	[tilespmem:$0x6800] =	vst v63  }
0x64: {  	s23 =	sadd.s32 $0x3600, s14;
	s24 =	sadd.s32 $0x200, s14  }
0x65: {  	[tilespmem:s23], [sflag:$0x1] =	stream.indirect.gather [hbm4b:s3+s8], $0x1, s24, s8, $0xb8;
	[tilespmem:$0x6800] =	vst v63  }
0x66: {  	s25 =	sadd.s32 $0x3680, s14;
	s26 =	sadd.s32 $0x280, s14  }
0x67: {  	[tilespmem:s25], [sflag:$0x1] =	stream.indirect.gather [hbm4b:s3+s8], $0x1, s26, s8, $0xb8;
	[tilespmem:$0x6800] =	vst v63  }
0x68: {  	s28 =	sadd.s32 $0x3700, s14;
	s29 =	sadd.s32 $0x300, s14  }
0x69: {  	[tilespmem:s28], [sflag:$0x1] =	stream.indirect.gather [hbm4b:s3+s8], $0x1, s29, s8, $0xb8;
	[tilespmem:$0x6800] =	vst v63  }
0x6a: {  	s30 =	sadd.s32 $0x3780, s14;
	s31 =	sadd.s32 $0x380, s14  }
0x6b: {  	[tilespmem:s30], [sflag:$0x1] =	stream.indirect.gather [hbm4b:s3+s8], $0x1, s31, s8, $0xb8;
	[tilespmem:$0x6800] =	vst v63  }
0x6c: {  	_ =	swait.ge [sflag:s9], $0x80  }
0x6d: {  	[sflag:s9] =	ssyncset.done $0x0  }
0x6e: {  	[sflag:s9] =	ssyncadd.s32 $0xFFFFFF80  }
0x6f: {  	_ =	swait.ge [sflag:s9], $0x80  }
0x70: {  	[sflag:s9] =	ssyncset.done $0x0  }
0x71: {  	[sflag:s9] =	ssyncadd.s32 $0xFFFFFF80  }
0x72: {  	_ =	swait.ge [sflag:s9], $0x80  }
0x73: {  	[sflag:s9] =	ssyncset.done $0x0  }
0x74: {  	[sflag:s9] =	ssyncadd.s32 $0xFFFFFF80  }
0x75: {  	_ =	swait.ge [sflag:s9], $0x80  }
0x76: {  	[sflag:s9] =	ssyncset.done $0x0  }
0x77: {  	[sflag:s9] =	ssyncadd.s32 $0xFFFFFF80  }
0x78: {  	_ =	swait.ge [sflag:s9], $0x80  }
0x79: {  	[sflag:s9] =	ssyncset.done $0x0  }
0x7a: {  	[sflag:s9] =	ssyncadd.s32 $0xFFFFFF80  }
0x7b: {  	_ =	swait.ge [sflag:s9], $0x80  }
0x7c: {  	[sflag:s9] =	ssyncset.done $0x0  }
0x7d: {  	[sflag:s9] =	ssyncadd.s32 $0xFFFFFF80  }
0x7e: {  	_ =	swait.ge [sflag:s9], $0x80  }
0x7f: {  	[sflag:s9] =	ssyncset.done $0x0  }
0x80: {  	[sflag:s9] =	ssyncadd.s32 $0xFFFFFF80  }
0x81: {  	s11 =	sadd.s32 $0x1, s11;
	_ =	swait.ge [sflag:s9], $0x80  }
0x82: {  	p0 =	sne.s32 s11, s6;
	[sflag:s9] =	ssyncset.done $0x0  }
.Ltmp1:
0x83: {  	[sflag:s9] =	ssyncadd.s32 $0xFFFFFF80;
	(pc) =	sbr.rel @p0 .LBB2_1-.Ltmp1, $4  }
0x84: {  	[hbm4b:s5+s2] =	stream.linear.scatter [tilespmem:s10], [sflag:$0x2], $0x3400, $0x38;
	[tilespmem:$0x6800] =	vst v63  }
0x85: {  	_ =	swait.ge [sflag:s7], $0x3400  }
0x86: {  	[sflag:s7] =	ssyncset.done $0x0  }
0x87: {  	[sflag:s7] =	ssyncadd.s32 $0xFFFFCC00  }
0x88: {  	_ =	sfence.sel $0x180000  }
0x89: {  	[bflag:$0x0] =	sbarrier.arrive $0xFFFF  }
0x8a: {  	p0 =	sne.s32 s0, $0x0;
	_ =	strace $0x9000004A  }
0x8b: {  	s0 =	sadd.s32 @!p0 $0x100000, s1;
	[bflag:$0x2] =	sbarrier.arrive $0xFFFF  }
0x8c: {  	[sflag:s0] =	ssyncadd.tile.s32 @!p0 $0x1;
	_ =	shalt  }
.Lfunc_end2:
_tile_overlayer_lowered:
.L_overlay_start_2:
0x8d: {  	(tag) =	ssettag $0x2  }
0x8e: {  	s0 =	rddreg [dreg:$0x0];
	s2 =	stileid.u32  }
0x8f: {  	s1 =	rddreg [dreg:$0x1];
	p0 =	sne.s32 s2, $0x0  }
0x90: {  	s3 =	rddreg [dreg:$0x2];
	[bflag:$0x3] =	sbarrier.arrive $0xFFFF;
	s2 =	simm.s32 @!p0 $0x1C02  }
0x91: {  	[timem:s3], [sflag:s2] =	dma.local @!p0 [hbm:s0], s1  }
0x92: {  	s0 =	simm.s32 @!p0 $0x2  }
0x93: {  	_ =	swait.ge @!p0 [sflag:s0], s1  }
0x94: {  	s1 =	ssub.s32 @!p0 $0x0, s1;
	[sflag:s0] =	ssyncset.done @!p0 $0x0  }
0x95: {  	[sflag:s0] =	ssyncadd.s32 @!p0 s1  }
0x96: {  	[bflag:$0x3] =	sbarrier.arrive $0xFFFF  }
0x97: {  	_ =	shalt  }

</sc_bundles>
